<compile_context>
chip_gen: v7x
topology: tpu7x:2x2x1
jax: 0.10.2.dev20260603
libtpu: 0.0.44.dev20260713+nightly
codegen_flags: <defaults>
</compile_context>

<pallas_src>
import jax
import jax.numpy as jnp
from jax import lax
from jax.experimental import pallas as pl
from jax.experimental.pallas import tpu as pltpu
from jax.experimental.pallas import tpu_sc as plsc

N = 10000
F = 256
H = 512
C = 128
E = 160000

NC = 2
NS = 16
B = 128

T = 10240
RPT = T // NS

CPT_D = 40
CPT_B = 80
EPAD = NC * NS * CPT_D * B
ECH = EPAD // B

_mesh = plsc.VectorSubcoreMesh(core_axis_name="c", subcore_axis_name="s")



def _deg_body(dst_hbm, ones_hbm, z_hbm, out_hbm, dst_i, ones_v, acc_sh, sem):
    c = lax.axis_index("c")
    s = lax.axis_index("s")
    w = c * NS + s
    pltpu.sync_copy(dst_hbm.at[pl.ds(w * CPT_D, CPT_D)], dst_i)
    pltpu.sync_copy(z_hbm.at[pl.ds(s * RPT, RPT)],
                    acc_sh.at[pl.ds(s * RPT, RPT)])
    pltpu.sync_copy(ones_hbm, ones_v)
    plsc.subcore_barrier()

    def chunk(g, carry):
        pltpu.sync_copy(ones_v, acc_sh.at[dst_i.at[g]], add=True)
        return carry

    lax.fori_loop(0, CPT_D, chunk, 0)
    plsc.subcore_barrier()
    pltpu.sync_copy(acc_sh.at[pl.ds(s * RPT, RPT)],
                    out_hbm.at[c, pl.ds(s * RPT, RPT)])


_sc_deg = pl.kernel(
    _deg_body,
    out_type=jax.ShapeDtypeStruct((NC, T, C), jnp.float32),
    scratch_types=[
        pltpu.VMEM((CPT_D, B), jnp.int32),
        pltpu.VMEM((B, C), jnp.float32),
        pltpu.VMEM_SHARED((T, C), jnp.float32),
        pltpu.SemaphoreType.DMA,
    ],
    mesh=_mesh,
)


def _agg_pipeline(table_hbm, src_i, dst_i, rows0, rows1, acc_sh,
                  sem0, sem1, cpt):
    pltpu.async_copy(table_hbm.at[src_i.at[0]], rows0, sem0)

    def pair(i, carry):
        g0 = 2 * i
        pltpu.async_copy(table_hbm.at[src_i.at[g0 + 1]], rows1, sem1)
        pltpu.make_async_copy(table_hbm.at[src_i.at[g0]], rows0, sem0).wait()
        pltpu.sync_copy(rows0, acc_sh.at[dst_i.at[g0]], add=True)

        @pl.when(i < cpt // 2 - 1)
        def _():
            pltpu.async_copy(table_hbm.at[src_i.at[g0 + 2]], rows0, sem0)

        pltpu.make_async_copy(table_hbm.at[src_i.at[g0 + 1]], rows1,
                              sem1).wait()
        pltpu.sync_copy(rows1, acc_sh.at[dst_i.at[g0 + 1]], add=True)
        return carry

    lax.fori_loop(0, cpt // 2, pair, 0)


def _aggB_body(xs_hbm, srcs_hbm, dsts_hbm, out_hbm,
               src_i, dst_i, rows0, rows1, acc_sh, sem0, sem1):
    c = lax.axis_index("c")
    s = lax.axis_index("s")
    pltpu.sync_copy(xs_hbm.at[pl.ds(c * T + s * RPT, RPT)],
                    acc_sh.at[pl.ds(s * RPT, RPT)])
    plsc.subcore_barrier()
    for p in range(CPT_B // CPT_D):
        pltpu.sync_copy(
            srcs_hbm.at[pl.ds(c * (NS * CPT_B) + s * CPT_B + p * CPT_D,
                              CPT_D)], src_i)
        pltpu.sync_copy(dsts_hbm.at[pl.ds(s * CPT_B + p * CPT_D, CPT_D)],
                        dst_i)
        _agg_pipeline(xs_hbm, src_i, dst_i, rows0, rows1, acc_sh,
                      sem0, sem1, CPT_D)
    plsc.subcore_barrier()
    pltpu.sync_copy(acc_sh.at[pl.ds(s * RPT, RPT)],
                    out_hbm.at[c, pl.ds(s * RPT, RPT)])


_sc_aggB = pl.kernel(
    _aggB_body,
    out_type=jax.ShapeDtypeStruct((NC, T, C), jnp.float32),
    scratch_types=[
        pltpu.VMEM((CPT_D, B), jnp.int32),
        pltpu.VMEM((CPT_D, B), jnp.int32),
        pltpu.VMEM((B, C), jnp.float32),
        pltpu.VMEM((B, C), jnp.float32),
        pltpu.VMEM_SHARED((T, C), jnp.float32),
        pltpu.SemaphoreType.DMA,
        pltpu.SemaphoreType.DMA,
    ],
    mesh=_mesh,
)


def _aggD_body(ts_hbm, srcs_hbm, dsts_hbm, z_hbm, out_hbm,
               src_i, dst_i, rows0, rows1, acc_sh, sem0, sem1):
    c = lax.axis_index("c")
    s = lax.axis_index("s")
    w = c * NS + s
    pltpu.sync_copy(srcs_hbm.at[pl.ds(w * CPT_D, CPT_D)], src_i)
    pltpu.sync_copy(dsts_hbm.at[pl.ds(w * CPT_D, CPT_D)], dst_i)

    @pl.when(c == 0)
    def _():
        pltpu.sync_copy(ts_hbm.at[pl.ds(s * RPT, RPT)],
                        acc_sh.at[pl.ds(s * RPT, RPT)])

    @pl.when(c == 1)
    def _():
        pltpu.sync_copy(z_hbm.at[pl.ds(s * RPT, RPT)],
                        acc_sh.at[pl.ds(s * RPT, RPT)])

    plsc.subcore_barrier()
    _agg_pipeline(ts_hbm, src_i, dst_i, rows0, rows1, acc_sh,
                  sem0, sem1, CPT_D)
    plsc.subcore_barrier()
    pltpu.sync_copy(acc_sh.at[pl.ds(s * RPT, RPT)],
                    out_hbm.at[c, pl.ds(s * RPT, RPT)])


_sc_aggD = pl.kernel(
    _aggD_body,
    out_type=jax.ShapeDtypeStruct((NC, T, C), jnp.float32),
    scratch_types=[
        pltpu.VMEM((CPT_D, B), jnp.int32),
        pltpu.VMEM((CPT_D, B), jnp.int32),
        pltpu.VMEM((B, C), jnp.float32),
        pltpu.VMEM((B, C), jnp.float32),
        pltpu.VMEM_SHARED((T, C), jnp.float32),
        pltpu.SemaphoreType.DMA,
        pltpu.SemaphoreType.DMA,
    ],
    mesh=_mesh,
)



R = 400
GRID = N // R
RT = R


def _tcA_body(d0_ref, d1_ref, x_ref, xs0_ref, xs1_ref, dis_ref):
    deg = d0_ref[:, 0:1] + d1_ref[:, 0:1] + 1.0
    dis = lax.rsqrt(deg)
    xs = x_ref[...] * dis
    xs0_ref[...] = xs[:, :C]
    xs1_ref[...] = xs[:, C:]
    dis_ref[...] = dis


_tc_a = pl.pallas_call(
    _tcA_body,
    grid=(GRID,),
    in_specs=[
        pl.BlockSpec((R, C), lambda i: (i, 0)),
        pl.BlockSpec((R, C), lambda i: (i, 0)),
        pl.BlockSpec((R, F), lambda i: (i, 0)),
    ],
    out_specs=[
        pl.BlockSpec((R, C), lambda i: (i, 0)),
        pl.BlockSpec((R, C), lambda i: (i, 0)),
        pl.BlockSpec((R, 1), lambda i: (i, 0)),
    ],
    out_shape=[
        jax.ShapeDtypeStruct((N, C), jnp.float32),
        jax.ShapeDtypeStruct((N, C), jnp.float32),
        jax.ShapeDtypeStruct((N, 1), jnp.float32),
    ],
)


def _tcC_body(a0_ref, a1_ref, dis_ref, w1a_ref, w1b_ref, b1_ref, w2_ref,
              ts_ref):
    dis = dis_ref[...]
    h = (jnp.dot(a0_ref[...] * dis, w1a_ref[...],
                 preferred_element_type=jnp.float32)
         + jnp.dot(a1_ref[...] * dis, w1b_ref[...],
                   preferred_element_type=jnp.float32)
         + b1_ref[...])
    h = jnp.maximum(h, 0.0)
    t = jnp.dot(h, w2_ref[...], preferred_element_type=jnp.float32)
    ts_ref[...] = t * dis


_tc_c = pl.pallas_call(
    _tcC_body,
    grid=(GRID,),
    in_specs=[
        pl.BlockSpec((R, C), lambda i: (i, 0)),
        pl.BlockSpec((R, C), lambda i: (i, 0)),
        pl.BlockSpec((R, 1), lambda i: (i, 0)),
        pl.BlockSpec((C, H), lambda i: (0, 0)),
        pl.BlockSpec((C, H), lambda i: (0, 0)),
        pl.BlockSpec((1, H), lambda i: (0, 0)),
        pl.BlockSpec((H, C), lambda i: (0, 0)),
    ],
    out_specs=pl.BlockSpec((R, C), lambda i: (i, 0)),
    out_shape=jax.ShapeDtypeStruct((N, C), jnp.float32),
)


def _tcE_body(a0_ref, a1_ref, dis_ref, b2_ref, out_ref):
    out_ref[...] = ((a0_ref[...] + a1_ref[...]) * dis_ref[...]
                    + b2_ref[...])


_tc_e = pl.pallas_call(
    _tcE_body,
    grid=(GRID,),
    in_specs=[
        pl.BlockSpec((R, C), lambda i: (i, 0)),
        pl.BlockSpec((R, C), lambda i: (i, 0)),
        pl.BlockSpec((R, 1), lambda i: (i, 0)),
        pl.BlockSpec((1, C), lambda i: (0, 0)),
    ],
    out_specs=pl.BlockSpec((R, C), lambda i: (i, 0)),
    out_shape=jax.ShapeDtypeStruct((N, C), jnp.float32),
)



def kernel(x, edge_index, W1, b1, W2, b2):
    ei = edge_index.astype(jnp.int32)
    src, dst = ei[0], ei[1]

    pad = jnp.full((EPAD - E,), N, jnp.int32)
    src_d = jnp.concatenate([src, pad]).reshape(ECH, B)
    dst_d = jnp.concatenate([dst, pad]).reshape(ECH, B)

    srcs_b = jnp.concatenate([src, pad, src + T, pad + T]).reshape(2 * ECH, B)

    ones128 = jnp.ones((B, C), jnp.float32)
    zbig = jnp.zeros((T, C), jnp.float32)
    zpad = jnp.zeros((T - N, C), jnp.float32)

    degacc = _sc_deg(dst_d, ones128, zbig)
    xs0, xs1, dis = _tc_a(degacc[0], degacc[1], x)
    xs = jnp.concatenate([xs0, zpad, xs1, zpad], axis=0)
    acc1 = _sc_aggB(xs, srcs_b, dst_d)
    ts = _tc_c(acc1[0], acc1[1], dis, W1[:C], W1[C:], b1.reshape(1, H), W2)
    ts_pad = jnp.concatenate([ts, zpad], axis=0)
    acc2 = _sc_aggD(ts_pad, src_d, dst_d, zbig)
    return _tc_e(acc2[0], acc2[1], dis, b2.reshape(1, C))

# --- scband reference (transcript-rebuilt; emitter-appended) ---
"""Pipeline reference for scband-gcnrecommender-72602127171668 (READ-ONLY COPY).

The authoritative reference and input builder live on the scoring server;
editing this copy changes nothing except your own understanding.
"""

import jax, jax.numpy as jnp
import numpy as np

NUM_NODES = 10000
NUM_FEATURES = 256
HIDDEN_DIM = 512
NUM_CLASSES = 128
NUM_EDGES = 160000


def gcn_conv(x, edge_index, W, b):
    # GCNConv: out = D^{-1/2} (A + I) D^{-1/2} X W + b  (add_self_loops=True, normalize=True)
    n = x.shape[0]
    src = edge_index[0]
    dst = edge_index[1]
    loop = jnp.arange(n, dtype=src.dtype)
    src = jnp.concatenate([src, loop])
    dst = jnp.concatenate([dst, loop])
    # degree computed on destination nodes (in-degree incl. self loops)
    deg = jnp.zeros((n,), dtype=x.dtype).at[dst].add(1.0)
    deg_inv_sqrt = jnp.where(deg > 0, jax.lax.rsqrt(deg), 0.0)
    norm = deg_inv_sqrt[src] * deg_inv_sqrt[dst]
    h = x @ W  # dense transform first (matches PyG order: lin then propagate)
    msg = h[src] * norm[:, None]
    out = jnp.zeros((n, W.shape[1]), dtype=x.dtype).at[dst].add(msg)
    return out + b


def setup_inputs(seed: int = 0) -> dict:
    key = jax.random.key(seed)
    k1, k2, k3, k4, k5 = jax.random.split(key, 5)
    x = jax.random.normal(k1, (NUM_NODES, NUM_FEATURES), dtype=jnp.float32)
    edge_index = jax.random.randint(k2, (2, NUM_EDGES), 0, NUM_NODES, dtype=jnp.int64)
    # glorot init like PyG GCNConv
    s1 = (6.0 / (NUM_FEATURES + HIDDEN_DIM)) ** 0.5
    s2 = (6.0 / (HIDDEN_DIM + NUM_CLASSES)) ** 0.5
    W1 = jax.random.uniform(k3, (NUM_FEATURES, HIDDEN_DIM), dtype=jnp.float32, minval=-s1, maxval=s1)
    b1 = jnp.zeros((HIDDEN_DIM,), dtype=jnp.float32)
    W2 = jax.random.uniform(k4, (HIDDEN_DIM, NUM_CLASSES), dtype=jnp.float32, minval=-s2, maxval=s2)
    b2 = jnp.zeros((NUM_CLASSES,), dtype=jnp.float32)
    return {"x": x, "edge_index": edge_index, "W1": W1, "b1": b1, "W2": W2, "b2": b2}


def reference(x, edge_index, W1, b1, W2, b2):
    h = jax.nn.relu(gcn_conv(x, edge_index, W1, b1))
    out = gcn_conv(h, edge_index, W2, b2)
    return out

if __name__ == "__main__":
    import jax
    _d = setup_inputs()
    print(jax.jit(kernel)(*tuple(_d.values())))

</pallas_src>

<mosaic_0001>
#map = affine_map<(d0, d1) -> (0, 0)>
#map1 = affine_map<(d0, d1) -> (0, 0, 0)>
module attributes {stable_mosaic.version = 14 : i64} {
  func.func @_deg_body(%arg0: i32, %arg1: i32, %arg2: memref<1280x128xi32, #tpu.memory_space<hbm>>, %arg3: memref<128x128xf32, #tpu.memory_space<hbm>>, %arg4: memref<10240x128xf32, #tpu.memory_space<hbm>>, %arg5: memref<2x10240x128xf32, #tpu.memory_space<hbm>>, %arg6: memref<40x128xi32, #tpu.memory_space<vmem>>, %arg7: memref<128x128xf32, #tpu.memory_space<vmem>>, %arg8: memref<10240x128xf32, #tpu.memory_space<vmem_shared>>, %arg9: memref<!tpu.dma_semaphore, #tpu.memory_space<semaphore_mem>>) attributes {dimension_semantics = [#tpu.dimension_semantics<core_parallel>, #tpu.dimension_semantics<subcore_parallel>], iteration_bounds = array<i64: 2, 16>, scalar_prefetch = 0 : i64, scratch_operands = 4 : i64, tpu.core_type = #tpu.core_type<sc_vector_subcore>, window_params = [{transform_indices = #map}, {transform_indices = #map}, {transform_indices = #map}, {transform_indices = #map1}]} {
    %mul3A = arith.constant 16 : i32
    %mul3A_0 = arith.muli %arg0, %mul3A : i32
    %add3A = arith.addi %mul3A_0, %arg1 : i32
    %mul3A_1 = arith.constant 40 : i32
    %mul3A_2 = arith.muli %add3A, %mul3A_1 : i32
    "tpu.region"() ({
      %run_scoped3A = tpu.sem_alloc : memref<!tpu.dma_semaphore, #tpu.memory_space<semaphore_mem>>
      %dma_start3A = arith.constant 0 : i32
      %dma_start3A_17 = tpu.memref_slice %arg2[%mul3A_2, %dma_start3A] : memref<1280x128xi32, #tpu.memory_space<hbm>> -> memref<40x128xi32, #tpu.memory_space<hbm>>
      %dma_start3A_18 = arith.constant 0 : i32
      %dma_start3A_19 = tpu.memref_slice %arg2[%mul3A_2, %dma_start3A_18] : memref<1280x128xi32, #tpu.memory_space<hbm>> -> memref<40x128xi32, #tpu.memory_space<hbm>>
      tpu.enqueue_dma source(%dma_start3A_19 : memref<40x128xi32, #tpu.memory_space<hbm>>) target(%arg6 : memref<40x128xi32, #tpu.memory_space<vmem>>) target_semaphore(%run_scoped3A : memref<!tpu.dma_semaphore, #tpu.memory_space<semaphore_mem>>)
      %dma_wait3A = arith.constant 0 : i32
      %dma_wait3A_20 = tpu.memref_slice %arg2[%mul3A_2, %dma_wait3A] : memref<1280x128xi32, #tpu.memory_space<hbm>> -> memref<40x128xi32, #tpu.memory_space<hbm>>
      %dma_wait3A_21 = arith.constant 0 : i32
      %dma_wait3A_22 = tpu.memref_slice %arg2[%mul3A_2, %dma_wait3A_21] : memref<1280x128xi32, #tpu.memory_space<hbm>> -> memref<40x128xi32, #tpu.memory_space<hbm>>
      tpu.wait_dma2 semaphore(%run_scoped3A : memref<!tpu.dma_semaphore, #tpu.memory_space<semaphore_mem>>) src(%dma_wait3A_22 : memref<40x128xi32, #tpu.memory_space<hbm>>) dst(%arg6 : memref<40x128xi32, #tpu.memory_space<vmem>>)
      tpu.yield
    }) : () -> ()
    %mul3A_3 = arith.constant 640 : i32
    %mul3A_4 = arith.muli %arg1, %mul3A_3 : i32
    %mul3A_5 = arith.constant 640 : i32
    %mul3A_6 = arith.muli %arg1, %mul3A_5 : i32
    "tpu.region"() ({
      %run_scoped3A = tpu.sem_alloc : memref<!tpu.dma_semaphore, #tpu.memory_space<semaphore_mem>>
      %dma_start3A = arith.constant 0 : i32
      %dma_start3A_17 = tpu.memref_slice %arg8[%mul3A_6, %dma_start3A] : memref<10240x128xf32, #tpu.memory_space<vmem_shared>> -> memref<640x128xf32, #tpu.memory_space<vmem_shared>>
      %dma_start3A_18 = arith.constant 0 : i32
      %dma_start3A_19 = tpu.memref_slice %arg4[%mul3A_4, %dma_start3A_18] : memref<10240x128xf32, #tpu.memory_space<hbm>> -> memref<640x128xf32, #tpu.memory_space<hbm>>
      tpu.enqueue_dma source(%dma_start3A_19 : memref<640x128xf32, #tpu.memory_space<hbm>>) target(%dma_start3A_17 : memref<640x128xf32, #tpu.memory_space<vmem_shared>>) target_semaphore(%run_scoped3A : memref<!tpu.dma_semaphore, #tpu.memory_space<semaphore_mem>>)
      %dma_wait3A = arith.constant 0 : i32
      %dma_wait3A_20 = tpu.memref_slice %arg8[%mul3A_6, %dma_wait3A] : memref<10240x128xf32, #tpu.memory_space<vmem_shared>> -> memref<640x128xf32, #tpu.memory_space<vmem_shared>>
      %dma_wait3A_21 = arith.constant 0 : i32
      %dma_wait3A_22 = tpu.memref_slice %arg4[%mul3A_4, %dma_wait3A_21] : memref<10240x128xf32, #tpu.memory_space<hbm>> -> memref<640x128xf32, #tpu.memory_space<hbm>>
      tpu.wait_dma2 semaphore(%run_scoped3A : memref<!tpu.dma_semaphore, #tpu.memory_space<semaphore_mem>>) src(%dma_wait3A_22 : memref<640x128xf32, #tpu.memory_space<hbm>>) dst(%dma_wait3A_20 : memref<640x128xf32, #tpu.memory_space<vmem_shared>>)
      tpu.yield
    }) : () -> ()
    "tpu.region"() ({
      %run_scoped3A = tpu.sem_alloc : memref<!tpu.dma_semaphore, #tpu.memory_space<semaphore_mem>>
      tpu.enqueue_dma source(%arg3 : memref<128x128xf32, #tpu.memory_space<hbm>>) target(%arg7 : memref<128x128xf32, #tpu.memory_space<vmem>>) target_semaphore(%run_scoped3A : memref<!tpu.dma_semaphore, #tpu.memory_space<semaphore_mem>>)
      tpu.wait_dma2 semaphore(%run_scoped3A : memref<!tpu.dma_semaphore, #tpu.memory_space<semaphore_mem>>) src(%arg3 : memref<128x128xf32, #tpu.memory_space<hbm>>) dst(%arg7 : memref<128x128xf32, #tpu.memory_space<vmem>>)
      tpu.yield
    }) : () -> ()
    %barrier3A = arith.constant 0 : index
    tpu.barrier barrier_id(%barrier3A)
    %scan3A = arith.constant 0 : i32
    %scan3A_7 = arith.constant 0 : i32
    %scan3A_8 = arith.constant 40 : i32
    %scan3A_9 = arith.addi %scan3A_7, %scan3A_8 : i32
    %scan3A_10 = arith.constant 1 : i32
    scf.for %scan3A_17 = %scan3A_7 to %scan3A_9 step %scan3A_10  : i32 {
      "tpu.region"() ({
        %run_scoped3A = tpu.sem_alloc : memref<!tpu.dma_semaphore, #tpu.memory_space<semaphore_mem>>
        %dma_start3A = arith.constant 0 : i32
        %dma_start3A_18 = tpu.memref_slice %arg6[%scan3A_17, %dma_start3A] : memref<40x128xi32, #tpu.memory_space<vmem>> -> memref<1x128xi32, #tpu.memory_space<vmem>>
        %dma_start3A_19 = tpu.memref_squeeze %dma_start3A_18 : memref<1x128xi32, #tpu.memory_space<vmem>> -> memref<128xi32, #tpu.memory_space<vmem>>
        %dma_start3A_20 = arith.constant 0 : i32
        %dma_start3A_21 = arith.constant 0 : i32
        %dma_start3A_22 = tpu.memref_slice %arg8[%dma_start3A_20, %dma_start3A_21] : memref<10240x128xf32, #tpu.memory_space<vmem_shared>> -> memref<10240x128xf32, #tpu.memory_space<vmem_shared>>
        tpu.enqueue_indirect_dma source(%arg7 : memref<128x128xf32, #tpu.memory_space<vmem>>) target(%dma_start3A_22 : memref<10240x128xf32, #tpu.memory_space<vmem_shared>>) offsets(%dma_start3A_19 : memref<128xi32, #tpu.memory_space<vmem>>) semaphore(%run_scoped3A : memref<!tpu.dma_semaphore, #tpu.memory_space<semaphore_mem>>) {add = true}
        %dma_wait3A = arith.constant 0 : i32
        %dma_wait3A_23 = tpu.memref_slice %arg6[%scan3A_17, %dma_wait3A] : memref<40x128xi32, #tpu.memory_space<vmem>> -> memref<1x128xi32, #tpu.memory_space<vmem>>
        %dma_wait3A_24 = tpu.memref_squeeze %dma_wait3A_23 : memref<1x128xi32, #tpu.memory_space<vmem>> -> memref<128xi32, #tpu.memory_space<vmem>>
        %dma_wait3A_25 = arith.constant 0 : i32
        %dma_wait3A_26 = arith.constant 0 : i32
        %dma_wait3A_27 = tpu.memref_slice %arg8[%dma_wait3A_25, %dma_wait3A_26] : memref<10240x128xf32, #tpu.memory_space<vmem_shared>> -> memref<10240x128xf32, #tpu.memory_space<vmem_shared>>
        tpu.wait_indirect_dma semaphore(%run_scoped3A : memref<!tpu.dma_semaphore, #tpu.memory_space<semaphore_mem>>) src(%arg7 : memref<128x128xf32, #tpu.memory_space<vmem>>) dst(%dma_wait3A_27 : memref<10240x128xf32, #tpu.memory_space<vmem_shared>>)
        tpu.yield
      }) : () -> ()
    }
    %scan3A_11 = arith.constant 40 : i32
    %barrier3A_12 = arith.constant 0 : index
    tpu.barrier barrier_id(%barrier3A_12)
    %mul3A_13 = arith.constant 640 : i32
    %mul3A_14 = arith.muli %arg1, %mul3A_13 : i32
    %mul3A_15 = arith.constant 640 : i32
    %mul3A_16 = arith.muli %arg1, %mul3A_15 : i32
    "tpu.region"() ({
      %run_scoped3A = tpu.sem_alloc : memref<!tpu.dma_semaphore, #tpu.memory_space<semaphore_mem>>
      %dma_start3A = arith.constant 0 : i32
      %dma_start3A_17 = tpu.memref_slice %arg5[%arg0, %mul3A_16, %dma_start3A] : memref<2x10240x128xf32, #tpu.memory_space<hbm>> -> memref<1x640x128xf32, #tpu.memory_space<hbm>>
      %dma_start3A_18 = tpu.memref_squeeze %dma_start3A_17 : memref<1x640x128xf32, #tpu.memory_space<hbm>> -> memref<640x128xf32, #tpu.memory_space<hbm>>
      %dma_start3A_19 = arith.constant 0 : i32
      %dma_start3A_20 = tpu.memref_slice %arg8[%mul3A_14, %dma_start3A_19] : memref<10240x128xf32, #tpu.memory_space<vmem_shared>> -> memref<640x128xf32, #tpu.memory_space<vmem_shared>>
      tpu.enqueue_dma source(%dma_start3A_20 : memref<640x128xf32, #tpu.memory_space<vmem_shared>>) target(%dma_start3A_18 : memref<640x128xf32, #tpu.memory_space<hbm>>) target_semaphore(%run_scoped3A : memref<!tpu.dma_semaphore, #tpu.memory_space<semaphore_mem>>)
      %dma_wait3A = arith.constant 0 : i32
      %dma_wait3A_21 = tpu.memref_slice %arg5[%arg0, %mul3A_16, %dma_wait3A] : memref<2x10240x128xf32, #tpu.memory_space<hbm>> -> memref<1x640x128xf32, #tpu.memory_space<hbm>>
      %dma_wait3A_22 = tpu.memref_squeeze %dma_wait3A_21 : memref<1x640x128xf32, #tpu.memory_space<hbm>> -> memref<640x128xf32, #tpu.memory_space<hbm>>
      %dma_wait3A_23 = arith.constant 0 : i32
      %dma_wait3A_24 = tpu.memref_slice %arg8[%mul3A_14, %dma_wait3A_23] : memref<10240x128xf32, #tpu.memory_space<vmem_shared>> -> memref<640x128xf32, #tpu.memory_space<vmem_shared>>
      tpu.wait_dma2 semaphore(%run_scoped3A : memref<!tpu.dma_semaphore, #tpu.memory_space<semaphore_mem>>) src(%dma_wait3A_24 : memref<640x128xf32, #tpu.memory_space<vmem_shared>>) dst(%dma_wait3A_22 : memref<640x128xf32, #tpu.memory_space<hbm>>)
      tpu.yield
    }) : () -> ()
    return
  }
}

#map = affine_map<(d0, d1) -> (0, 0)>
#map1 = affine_map<(d0, d1) -> (0, 0, 0)>
module attributes {stable_mosaic.version = 14 : i64} {
  func.func @_aggB_body(%arg0: i32, %arg1: i32, %arg2: memref<20480x128xf32, #tpu.memory_space<hbm>>, %arg3: memref<2560x128xi32, #tpu.memory_space<hbm>>, %arg4: memref<1280x128xi32, #tpu.memory_space<hbm>>, %arg5: memref<2x10240x128xf32, #tpu.memory_space<hbm>>, %arg6: memref<40x128xi32, #tpu.memory_space<vmem>>, %arg7: memref<40x128xi32, #tpu.memory_space<vmem>>, %arg8: memref<128x128xf32, #tpu.memory_space<vmem>>, %arg9: memref<128x128xf32, #tpu.memory_space<vmem>>, %arg10: memref<10240x128xf32, #tpu.memory_space<vmem_shared>>, %arg11: memref<!tpu.dma_semaphore, #tpu.memory_space<semaphore_mem>>, %arg12: memref<!tpu.dma_semaphore, #tpu.memory_space<semaphore_mem>>) attributes {dimension_semantics = [#tpu.dimension_semantics<core_parallel>, #tpu.dimension_semantics<subcore_parallel>], iteration_bounds = array<i64: 2, 16>, scalar_prefetch = 0 : i64, scratch_operands = 7 : i64, tpu.core_type = #tpu.core_type<sc_vector_subcore>, window_params = [{transform_indices = #map}, {transform_indices = #map}, {transform_indices = #map}, {transform_indices = #map1}]} {
    %mul3A = arith.constant 10240 : i32
    %mul3A_0 = arith.muli %arg0, %mul3A : i32
    %mul3A_1 = arith.constant 640 : i32
    %mul3A_2 = arith.muli %arg1, %mul3A_1 : i32
    %add3A = arith.addi %mul3A_0, %mul3A_2 : i32
    %mul3A_3 = arith.constant 640 : i32
    %mul3A_4 = arith.muli %arg1, %mul3A_3 : i32
    "tpu.region"() ({
      %run_scoped3A = tpu.sem_alloc : memref<!tpu.dma_semaphore, #tpu.memory_space<semaphore_mem>>
      %dma_start3A_56 = arith.constant 0 : i32
      %dma_start3A_57 = tpu.memref_slice %arg10[%mul3A_4, %dma_start3A_56] : memref<10240x128xf32, #tpu.memory_space<vmem_shared>> -> memref<640x128xf32, #tpu.memory_space<vmem_shared>>
      %dma_start3A_58 = arith.constant 0 : i32
      %dma_start3A_59 = tpu.memref_slice %arg2[%add3A, %dma_start3A_58] : memref<20480x128xf32, #tpu.memory_space<hbm>> -> memref<640x128xf32, #tpu.memory_space<hbm>>
      tpu.enqueue_dma source(%dma_start3A_59 : memref<640x128xf32, #tpu.memory_space<hbm>>) target(%dma_start3A_57 : memref<640x128xf32, #tpu.memory_space<vmem_shared>>) target_semaphore(%run_scoped3A : memref<!tpu.dma_semaphore, #tpu.memory_space<semaphore_mem>>)
      %dma_wait3A = arith.constant 0 : i32
      %dma_wait3A_60 = tpu.memref_slice %arg10[%mul3A_4, %dma_wait3A] : memref<10240x128xf32, #tpu.memory_space<vmem_shared>> -> memref<640x128xf32, #tpu.memory_space<vmem_shared>>
      %dma_wait3A_61 = arith.constant 0 : i32
      %dma_wait3A_62 = tpu.memref_slice %arg2[%add3A, %dma_wait3A_61] : memref<20480x128xf32, #tpu.memory_space<hbm>> -> memref<640x128xf32, #tpu.memory_space<hbm>>
      tpu.wait_dma2 semaphore(%run_scoped3A : memref<!tpu.dma_semaphore, #tpu.memory_space<semaphore_mem>>) src(%dma_wait3A_62 : memref<640x128xf32, #tpu.memory_space<hbm>>) dst(%dma_wait3A_60 : memref<640x128xf32, #tpu.memory_space<vmem_shared>>)
      tpu.yield
    }) : () -> ()
    %barrier3A = arith.constant 0 : index
    tpu.barrier barrier_id(%barrier3A)
    %mul3A_5 = arith.constant 1280 : i32
    %mul3A_6 = arith.muli %arg0, %mul3A_5 : i32
    %mul3A_7 = arith.constant 80 : i32
    %mul3A_8 = arith.muli %arg1, %mul3A_7 : i32
    %add3A_9 = arith.addi %mul3A_6, %mul3A_8 : i32
    %add3A_10 = arith.constant 0 : i32
    %add3A_11 = arith.addi %add3A_9, %add3A_10 : i32
    "tpu.region"() ({
      %run_scoped3A = tpu.sem_alloc : memref<!tpu.dma_semaphore, #tpu.memory_space<semaphore_mem>>
      %dma_start3A_56 = arith.constant 0 : i32
      %dma_start3A_57 = tpu.memref_slice %arg3[%add3A_11, %dma_start3A_56] : memref<2560x128xi32, #tpu.memory_space<hbm>> -> memref<40x128xi32, #tpu.memory_space<hbm>>
      %dma_start3A_58 = arith.constant 0 : i32
      %dma_start3A_59 = tpu.memref_slice %arg3[%add3A_11, %dma_start3A_58] : memref<2560x128xi32, #tpu.memory_space<hbm>> -> memref<40x128xi32, #tpu.memory_space<hbm>>
      tpu.enqueue_dma source(%dma_start3A_59 : memref<40x128xi32, #tpu.memory_space<hbm>>) target(%arg6 : memref<40x128xi32, #tpu.memory_space<vmem>>) target_semaphore(%run_scoped3A : memref<!tpu.dma_semaphore, #tpu.memory_space<semaphore_mem>>)
      %dma_wait3A = arith.constant 0 : i32
      %dma_wait3A_60 = tpu.memref_slice %arg3[%add3A_11, %dma_wait3A] : memref<2560x128xi32, #tpu.memory_space<hbm>> -> memref<40x128xi32, #tpu.memory_space<hbm>>
      %dma_wait3A_61 = arith.constant 0 : i32
      %dma_wait3A_62 = tpu.memref_slice %arg3[%add3A_11, %dma_wait3A_61] : memref<2560x128xi32, #tpu.memory_space<hbm>> -> memref<40x128xi32, #tpu.memory_space<hbm>>
      tpu.wait_dma2 semaphore(%run_scoped3A : memref<!tpu.dma_semaphore, #tpu.memory_space<semaphore_mem>>) src(%dma_wait3A_62 : memref<40x128xi32, #tpu.memory_space<hbm>>) dst(%arg6 : memref<40x128xi32, #tpu.memory_space<vmem>>)
      tpu.yield
    }) : () -> ()
    %mul3A_12 = arith.constant 80 : i32
    %mul3A_13 = arith.muli %arg1, %mul3A_12 : i32
    %add3A_14 = arith.constant 0 : i32
    %add3A_15 = arith.addi %mul3A_13, %add3A_14 : i32
    "tpu.region"() ({
      %run_scoped3A = tpu.sem_alloc : memref<!tpu.dma_semaphore, #tpu.memory_space<semaphore_mem>>
      %dma_start3A_56 = arith.constant 0 : i32
      %dma_start3A_57 = tpu.memref_slice %arg4[%add3A_15, %dma_start3A_56] : memref<1280x128xi32, #tpu.memory_space<hbm>> -> memref<40x128xi32, #tpu.memory_space<hbm>>
      %dma_start3A_58 = arith.constant 0 : i32
      %dma_start3A_59 = tpu.memref_slice %arg4[%add3A_15, %dma_start3A_58] : memref<1280x128xi32, #tpu.memory_space<hbm>> -> memref<40x128xi32, #tpu.memory_space<hbm>>
      tpu.enqueue_dma source(%dma_start3A_59 : memref<40x128xi32, #tpu.memory_space<hbm>>) target(%arg7 : memref<40x128xi32, #tpu.memory_space<vmem>>) target_semaphore(%run_scoped3A : memref<!tpu.dma_semaphore, #tpu.memory_space<semaphore_mem>>)
      %dma_wait3A = arith.constant 0 : i32
      %dma_wait3A_60 = tpu.memref_slice %arg4[%add3A_15, %dma_wait3A] : memref<1280x128xi32, #tpu.memory_space<hbm>> -> memref<40x128xi32, #tpu.memory_space<hbm>>
      %dma_wait3A_61 = arith.constant 0 : i32
      %dma_wait3A_62 = tpu.memref_slice %arg4[%add3A_15, %dma_wait3A_61] : memref<1280x128xi32, #tpu.memory_space<hbm>> -> memref<40x128xi32, #tpu.memory_space<hbm>>
      tpu.wait_dma2 semaphore(%run_scoped3A : memref<!tpu.dma_semaphore, #tpu.memory_space<semaphore_mem>>) src(%dma_wait3A_62 : memref<40x128xi32, #tpu.memory_space<hbm>>) dst(%arg7 : memref<40x128xi32, #tpu.memory_space<vmem>>)
      tpu.yield
    }) : () -> ()
    %dma_start3A = arith.constant 0 : i32
    %dma_start3A_16 = arith.constant 0 : i32
    %dma_start3A_17 = tpu.memref_slice %arg6[%dma_start3A, %dma_start3A_16] : memref<40x128xi32, #tpu.memory_space<vmem>> -> memref<1x128xi32, #tpu.memory_space<vmem>>
    %dma_start3A_18 = tpu.memref_squeeze %dma_start3A_17 : memref<1x128xi32, #tpu.memory_space<vmem>> -> memref<128xi32, #tpu.memory_space<vmem>>
    %dma_start3A_19 = arith.constant 0 : i32
    %dma_start3A_20 = arith.constant 0 : i32
    %dma_start3A_21 = tpu.memref_slice %arg2[%dma_start3A_19, %dma_start3A_20] : memref<20480x128xf32, #tpu.memory_space<hbm>> -> memref<20480x128xf32, #tpu.memory_space<hbm>>
    tpu.enqueue_indirect_dma source(%dma_start3A_21 : memref<20480x128xf32, #tpu.memory_space<hbm>>) target(%arg8 : memref<128x128xf32, #tpu.memory_space<vmem>>) offsets(%dma_start3A_18 : memref<128xi32, #tpu.memory_space<vmem>>) semaphore(%arg11 : memref<!tpu.dma_semaphore, #tpu.memory_space<semaphore_mem>>)
    %scan3A = arith.constant 0 : i32
    %scan3A_22 = arith.constant 0 : i32
    %scan3A_23 = arith.constant 20 : i32
    %scan3A_24 = arith.addi %scan3A_22, %scan3A_23 : i32
    %scan3A_25 = arith.constant 1 : i32
    scf.for %scan3A_56 = %scan3A_22 to %scan3A_24 step %scan3A_25  : i32 {
      %mul3A_57 = arith.constant 2 : i32
      %mul3A_58 = arith.muli %mul3A_57, %scan3A_56 : i32
      %add3A_59 = arith.constant 1 : i32
      %add3A_60 = arith.addi %mul3A_58, %add3A_59 : i32
      %dma_start3A_61 = arith.constant 0 : i32
      %dma_start3A_62 = tpu.memref_slice %arg6[%add3A_60, %dma_start3A_61] : memref<40x128xi32, #tpu.memory_space<vmem>> -> memref<1x128xi32, #tpu.memory_space<vmem>>
      %dma_start3A_63 = tpu.memref_squeeze %dma_start3A_62 : memref<1x128xi32, #tpu.memory_space<vmem>> -> memref<128xi32, #tpu.memory_space<vmem>>
      %dma_start3A_64 = arith.constant 0 : i32
      %dma_start3A_65 = arith.constant 0 : i32
      %dma_start3A_66 = tpu.memref_slice %arg2[%dma_start3A_64, %dma_start3A_65] : memref<20480x128xf32, #tpu.memory_space<hbm>> -> memref<20480x128xf32, #tpu.memory_space<hbm>>
      tpu.enqueue_indirect_dma source(%dma_start3A_66 : memref<20480x128xf32, #tpu.memory_space<hbm>>) target(%arg9 : memref<128x128xf32, #tpu.memory_space<vmem>>) offsets(%dma_start3A_63 : memref<128xi32, #tpu.memory_space<vmem>>) semaphore(%arg12 : memref<!tpu.dma_semaphore, #tpu.memory_space<semaphore_mem>>)
      %dma_wait3A = arith.constant 0 : i32
      %dma_wait3A_67 = tpu.memref_slice %arg6[%mul3A_58, %dma_wait3A] : memref<40x128xi32, #tpu.memory_space<vmem>> -> memref<1x128xi32, #tpu.memory_space<vmem>>
      %dma_wait3A_68 = tpu.memref_squeeze %dma_wait3A_67 : memref<1x128xi32, #tpu.memory_space<vmem>> -> memref<128xi32, #tpu.memory_space<vmem>>
      %dma_wait3A_69 = arith.constant 0 : i32
      %dma_wait3A_70 = arith.constant 0 : i32
      %dma_wait3A_71 = tpu.memref_slice %arg2[%dma_wait3A_69, %dma_wait3A_70] : memref<20480x128xf32, #tpu.memory_space<hbm>> -> memref<20480x128xf32, #tpu.memory_space<hbm>>
      tpu.wait_indirect_dma semaphore(%arg11 : memref<!tpu.dma_semaphore, #tpu.memory_space<semaphore_mem>>) src(%dma_wait3A_71 : memref<20480x128xf32, #tpu.memory_space<hbm>>) dst(%arg8 : memref<128x128xf32, #tpu.memory_space<vmem>>)
      "tpu.region"() ({
        %run_scoped3A = tpu.sem_alloc : memref<!tpu.dma_semaphore, #tpu.memory_space<semaphore_mem>>
        %dma_start3A_84 = arith.constant 0 : i32
        %dma_start3A_85 = tpu.memref_slice %arg7[%mul3A_58, %dma_start3A_84] : memref<40x128xi32, #tpu.memory_space<vmem>> -> memref<1x128xi32, #tpu.memory_space<vmem>>
        %dma_start3A_86 = tpu.memref_squeeze %dma_start3A_85 : memref<1x128xi32, #tpu.memory_space<vmem>> -> memref<128xi32, #tpu.memory_space<vmem>>
        %dma_start3A_87 = arith.constant 0 : i32
        %dma_start3A_88 = arith.constant 0 : i32
        %dma_start3A_89 = tpu.memref_slice %arg10[%dma_start3A_87, %dma_start3A_88] : memref<10240x128xf32, #tpu.memory_space<vmem_shared>> -> memref<10240x128xf32, #tpu.memory_space<vmem_shared>>
        tpu.enqueue_indirect_dma source(%arg8 : memref<128x128xf32, #tpu.memory_space<vmem>>) target(%dma_start3A_89 : memref<10240x128xf32, #tpu.memory_space<vmem_shared>>) offsets(%dma_start3A_86 : memref<128xi32, #tpu.memory_space<vmem>>) semaphore(%run_scoped3A : memref<!tpu.dma_semaphore, #tpu.memory_space<semaphore_mem>>) {add = true}
        %dma_wait3A_90 = arith.constant 0 : i32
        %dma_wait3A_91 = tpu.memref_slice %arg7[%mul3A_58, %dma_wait3A_90] : memref<40x128xi32, #tpu.memory_space<vmem>> -> memref<1x128xi32, #tpu.memory_space<vmem>>
        %dma_wait3A_92 = tpu.memref_squeeze %dma_wait3A_91 : memref<1x128xi32, #tpu.memory_space<vmem>> -> memref<128xi32, #tpu.memory_space<vmem>>
        %dma_wait3A_93 = arith.constant 0 : i32
        %dma_wait3A_94 = arith.constant 0 : i32
        %dma_wait3A_95 = tpu.memref_slice %arg10[%dma_wait3A_93, %dma_wait3A_94] : memref<10240x128xf32, #tpu.memory_space<vmem_shared>> -> memref<10240x128xf32, #tpu.memory_space<vmem_shared>>
        tpu.wait_indirect_dma semaphore(%run_scoped3A : memref<!tpu.dma_semaphore, #tpu.memory_space<semaphore_mem>>) src(%arg8 : memref<128x128xf32, #tpu.memory_space<vmem>>) dst(%dma_wait3A_95 : memref<10240x128xf32, #tpu.memory_space<vmem_shared>>)
        tpu.yield
      }) : () -> ()
      %lt3A = arith.constant 19 : i32
      %lt3A_72 = arith.cmpi slt, %scan3A_56, %lt3A : i32
      %convert_element_type3A = arith.extui %lt3A_72 : i1 to i32
      %cond3A = arith.constant 0 : i32
      %cond3A_73 = arith.cmpi ne, %convert_element_type3A, %cond3A : i32
      scf.if %cond3A_73 {
        %add3A_84 = arith.constant 2 : i32
        %add3A_85 = arith.addi %mul3A_58, %add3A_84 : i32
        %dma_start3A_86 = arith.constant 0 : i32
        %dma_start3A_87 = tpu.memref_slice %arg6[%add3A_85, %dma_start3A_86] : memref<40x128xi32, #tpu.memory_space<vmem>> -> memref<1x128xi32, #tpu.memory_space<vmem>>
        %dma_start3A_88 = tpu.memref_squeeze %dma_start3A_87 : memref<1x128xi32, #tpu.memory_space<vmem>> -> memref<128xi32, #tpu.memory_space<vmem>>
        %dma_start3A_89 = arith.constant 0 : i32
        %dma_start3A_90 = arith.constant 0 : i32
        %dma_start3A_91 = tpu.memref_slice %arg2[%dma_start3A_89, %dma_start3A_90] : memref<20480x128xf32, #tpu.memory_space<hbm>> -> memref<20480x128xf32, #tpu.memory_space<hbm>>
        tpu.enqueue_indirect_dma source(%dma_start3A_91 : memref<20480x128xf32, #tpu.memory_space<hbm>>) target(%arg8 : memref<128x128xf32, #tpu.memory_space<vmem>>) offsets(%dma_start3A_88 : memref<128xi32, #tpu.memory_space<vmem>>) semaphore(%arg11 : memref<!tpu.dma_semaphore, #tpu.memory_space<semaphore_mem>>)
      } else {
      }
      %add3A_74 = arith.constant 1 : i32
      %add3A_75 = arith.addi %mul3A_58, %add3A_74 : i32
      %dma_wait3A_76 = arith.constant 0 : i32
      %dma_wait3A_77 = tpu.memref_slice %arg6[%add3A_75, %dma_wait3A_76] : memref<40x128xi32, #tpu.memory_space<vmem>> -> memref<1x128xi32, #tpu.memory_space<vmem>>
      %dma_wait3A_78 = tpu.memref_squeeze %dma_wait3A_77 : memref<1x128xi32, #tpu.memory_space<vmem>> -> memref<128xi32, #tpu.memory_space<vmem>>
      %dma_wait3A_79 = arith.constant 0 : i32
      %dma_wait3A_80 = arith.constant 0 : i32
      %dma_wait3A_81 = tpu.memref_slice %arg2[%dma_wait3A_79, %dma_wait3A_80] : memref<20480x128xf32, #tpu.memory_space<hbm>> -> memref<20480x128xf32, #tpu.memory_space<hbm>>
      tpu.wait_indirect_dma semaphore(%arg12 : memref<!tpu.dma_semaphore, #tpu.memory_space<semaphore_mem>>) src(%dma_wait3A_81 : memref<20480x128xf32, #tpu.memory_space<hbm>>) dst(%arg9 : memref<128x128xf32, #tpu.memory_space<vmem>>)
      %add3A_82 = arith.constant 1 : i32
      %add3A_83 = arith.addi %mul3A_58, %add3A_82 : i32
      "tpu.region"() ({
        %run_scoped3A = tpu.sem_alloc : memref<!tpu.dma_semaphore, #tpu.memory_space<semaphore_mem>>
        %dma_start3A_84 = arith.constant 0 : i32
        %dma_start3A_85 = tpu.memref_slice %arg7[%add3A_83, %dma_start3A_84] : memref<40x128xi32, #tpu.memory_space<vmem>> -> memref<1x128xi32, #tpu.memory_space<vmem>>
        %dma_start3A_86 = tpu.memref_squeeze %dma_start3A_85 : memref<1x128xi32, #tpu.memory_space<vmem>> -> memref<128xi32, #tpu.memory_space<vmem>>
        %dma_start3A_87 = arith.constant 0 : i32
        %dma_start3A_88 = arith.constant 0 : i32
        %dma_start3A_89 = tpu.memref_slice %arg10[%dma_start3A_87, %dma_start3A_88] : memref<10240x128xf32, #tpu.memory_space<vmem_shared>> -> memref<10240x128xf32, #tpu.memory_space<vmem_shared>>
        tpu.enqueue_indirect_dma source(%arg9 : memref<128x128xf32, #tpu.memory_space<vmem>>) target(%dma_start3A_89 : memref<10240x128xf32, #tpu.memory_space<vmem_shared>>) offsets(%dma_start3A_86 : memref<128xi32, #tpu.memory_space<vmem>>) semaphore(%run_scoped3A : memref<!tpu.dma_semaphore, #tpu.memory_space<semaphore_mem>>) {add = true}
        %dma_wait3A_90 = arith.constant 0 : i32
        %dma_wait3A_91 = tpu.memref_slice %arg7[%add3A_83, %dma_wait3A_90] : memref<40x128xi32, #tpu.memory_space<vmem>> -> memref<1x128xi32, #tpu.memory_space<vmem>>
        %dma_wait3A_92 = tpu.memref_squeeze %dma_wait3A_91 : memref<1x128xi32, #tpu.memory_space<vmem>> -> memref<128xi32, #tpu.memory_space<vmem>>
        %dma_wait3A_93 = arith.constant 0 : i32
        %dma_wait3A_94 = arith.constant 0 : i32
        %dma_wait3A_95 = tpu.memref_slice %arg10[%dma_wait3A_93, %dma_wait3A_94] : memref<10240x128xf32, #tpu.memory_space<vmem_shared>> -> memref<10240x128xf32, #tpu.memory_space<vmem_shared>>
        tpu.wait_indirect_dma semaphore(%run_scoped3A : memref<!tpu.dma_semaphore, #tpu.memory_space<semaphore_mem>>) src(%arg9 : memref<128x128xf32, #tpu.memory_space<vmem>>) dst(%dma_wait3A_95 : memref<10240x128xf32, #tpu.memory_space<vmem_shared>>)
        tpu.yield
      }) : () -> ()
    }
    %scan3A_26 = arith.constant 20 : i32
    %mul3A_27 = arith.constant 1280 : i32
    %mul3A_28 = arith.muli %arg0, %mul3A_27 : i32
    %mul3A_29 = arith.constant 80 : i32
    %mul3A_30 = arith.muli %arg1, %mul3A_29 : i32
    %add3A_31 = arith.addi %mul3A_28, %mul3A_30 : i32
    %add3A_32 = arith.constant 40 : i32
    %add3A_33 = arith.addi %add3A_31, %add3A_32 : i32
    "tpu.region"() ({
      %run_scoped3A = tpu.sem_alloc : memref<!tpu.dma_semaphore, #tpu.memory_space<semaphore_mem>>
      %dma_start3A_56 = arith.constant 0 : i32
      %dma_start3A_57 = tpu.memref_slice %arg3[%add3A_33, %dma_start3A_56] : memref<2560x128xi32, #tpu.memory_space<hbm>> -> memref<40x128xi32, #tpu.memory_space<hbm>>
      %dma_start3A_58 = arith.constant 0 : i32
      %dma_start3A_59 = tpu.memref_slice %arg3[%add3A_33, %dma_start3A_58] : memref<2560x128xi32, #tpu.memory_space<hbm>> -> memref<40x128xi32, #tpu.memory_space<hbm>>
      tpu.enqueue_dma source(%dma_start3A_59 : memref<40x128xi32, #tpu.memory_space<hbm>>) target(%arg6 : memref<40x128xi32, #tpu.memory_space<vmem>>) target_semaphore(%run_scoped3A : memref<!tpu.dma_semaphore, #tpu.memory_space<semaphore_mem>>)
      %dma_wait3A = arith.constant 0 : i32
      %dma_wait3A_60 = tpu.memref_slice %arg3[%add3A_33, %dma_wait3A] : memref<2560x128xi32, #tpu.memory_space<hbm>> -> memref<40x128xi32, #tpu.memory_space<hbm>>
      %dma_wait3A_61 = arith.constant 0 : i32
      %dma_wait3A_62 = tpu.memref_slice %arg3[%add3A_33, %dma_wait3A_61] : memref<2560x128xi32, #tpu.memory_space<hbm>> -> memref<40x128xi32, #tpu.memory_space<hbm>>
      tpu.wait_dma2 semaphore(%run_scoped3A : memref<!tpu.dma_semaphore, #tpu.memory_space<semaphore_mem>>) src(%dma_wait3A_62 : memref<40x128xi32, #tpu.memory_space<hbm>>) dst(%arg6 : memref<40x128xi32, #tpu.memory_space<vmem>>)
      tpu.yield
    }) : () -> ()
    %mul3A_34 = arith.constant 80 : i32
    %mul3A_35 = arith.muli %arg1, %mul3A_34 : i32
    %add3A_36 = arith.constant 40 : i32
    %add3A_37 = arith.addi %mul3A_35, %add3A_36 : i32
    "tpu.region"() ({
      %run_scoped3A = tpu.sem_alloc : memref<!tpu.dma_semaphore, #tpu.memory_space<semaphore_mem>>
      %dma_start3A_56 = arith.constant 0 : i32
      %dma_start3A_57 = tpu.memref_slice %arg4[%add3A_37, %dma_start3A_56] : memref<1280x128xi32, #tpu.memory_space<hbm>> -> memref<40x128xi32, #tpu.memory_space<hbm>>
      %dma_start3A_58 = arith.constant 0 : i32
      %dma_start3A_59 = tpu.memref_slice %arg4[%add3A_37, %dma_start3A_58] : memref<1280x128xi32, #tpu.memory_space<hbm>> -> memref<40x128xi32, #tpu.memory_space<hbm>>
      tpu.enqueue_dma source(%dma_start3A_59 : memref<40x128xi32, #tpu.memory_space<hbm>>) target(%arg7 : memref<40x128xi32, #tpu.memory_space<vmem>>) target_semaphore(%run_scoped3A : memref<!tpu.dma_semaphore, #tpu.memory_space<semaphore_mem>>)
      %dma_wait3A = arith.constant 0 : i32
      %dma_wait3A_60 = tpu.memref_slice %arg4[%add3A_37, %dma_wait3A] : memref<1280x128xi32, #tpu.memory_space<hbm>> -> memref<40x128xi32, #tpu.memory_space<hbm>>
      %dma_wait3A_61 = arith.constant 0 : i32
      %dma_wait3A_62 = tpu.memref_slice %arg4[%add3A_37, %dma_wait3A_61] : memref<1280x128xi32, #tpu.memory_space<hbm>> -> memref<40x128xi32, #tpu.memory_space<hbm>>
      tpu.wait_dma2 semaphore(%run_scoped3A : memref<!tpu.dma_semaphore, #tpu.memory_space<semaphore_mem>>) src(%dma_wait3A_62 : memref<40x128xi32, #tpu.memory_space<hbm>>) dst(%arg7 : memref<40x128xi32, #tpu.memory_space<vmem>>)
      tpu.yield
    }) : () -> ()
    %dma_start3A_38 = arith.constant 0 : i32
    %dma_start3A_39 = arith.constant 0 : i32
    %dma_start3A_40 = tpu.memref_slice %arg6[%dma_start3A_38, %dma_start3A_39] : memref<40x128xi32, #tpu.memory_space<vmem>> -> memref<1x128xi32, #tpu.memory_space<vmem>>
    %dma_start3A_41 = tpu.memref_squeeze %dma_start3A_40 : memref<1x128xi32, #tpu.memory_space<vmem>> -> memref<128xi32, #tpu.memory_space<vmem>>
    %dma_start3A_42 = arith.constant 0 : i32
    %dma_start3A_43 = arith.constant 0 : i32
    %dma_start3A_44 = tpu.memref_slice %arg2[%dma_start3A_42, %dma_start3A_43] : memref<20480x128xf32, #tpu.memory_space<hbm>> -> memref<20480x128xf32, #tpu.memory_space<hbm>>
    tpu.enqueue_indirect_dma source(%dma_start3A_44 : memref<20480x128xf32, #tpu.memory_space<hbm>>) target(%arg8 : memref<128x128xf32, #tpu.memory_space<vmem>>) offsets(%dma_start3A_41 : memref<128xi32, #tpu.memory_space<vmem>>) semaphore(%arg11 : memref<!tpu.dma_semaphore, #tpu.memory_space<semaphore_mem>>)
    %scan3A_45 = arith.constant 0 : i32
    %scan3A_46 = arith.constant 0 : i32
    %scan3A_47 = arith.constant 20 : i32
    %scan3A_48 = arith.addi %scan3A_46, %scan3A_47 : i32
    %scan3A_49 = arith.constant 1 : i32
    scf.for %scan3A_56 = %scan3A_46 to %scan3A_48 step %scan3A_49  : i32 {
      %mul3A_57 = arith.constant 2 : i32
      %mul3A_58 = arith.muli %mul3A_57, %scan3A_56 : i32
      %add3A_59 = arith.constant 1 : i32
      %add3A_60 = arith.addi %mul3A_58, %add3A_59 : i32
      %dma_start3A_61 = arith.constant 0 : i32
      %dma_start3A_62 = tpu.memref_slice %arg6[%add3A_60, %dma_start3A_61] : memref<40x128xi32, #tpu.memory_space<vmem>> -> memref<1x128xi32, #tpu.memory_space<vmem>>
      %dma_start3A_63 = tpu.memref_squeeze %dma_start3A_62 : memref<1x128xi32, #tpu.memory_space<vmem>> -> memref<128xi32, #tpu.memory_space<vmem>>
      %dma_start3A_64 = arith.constant 0 : i32
      %dma_start3A_65 = arith.constant 0 : i32
      %dma_start3A_66 = tpu.memref_slice %arg2[%dma_start3A_64, %dma_start3A_65] : memref<20480x128xf32, #tpu.memory_space<hbm>> -> memref<20480x128xf32, #tpu.memory_space<hbm>>
      tpu.enqueue_indirect_dma source(%dma_start3A_66 : memref<20480x128xf32, #tpu.memory_space<hbm>>) target(%arg9 : memref<128x128xf32, #tpu.memory_space<vmem>>) offsets(%dma_start3A_63 : memref<128xi32, #tpu.memory_space<vmem>>) semaphore(%arg12 : memref<!tpu.dma_semaphore, #tpu.memory_space<semaphore_mem>>)
      %dma_wait3A = arith.constant 0 : i32
      %dma_wait3A_67 = tpu.memref_slice %arg6[%mul3A_58, %dma_wait3A] : memref<40x128xi32, #tpu.memory_space<vmem>> -> memref<1x128xi32, #tpu.memory_space<vmem>>
      %dma_wait3A_68 = tpu.memref_squeeze %dma_wait3A_67 : memref<1x128xi32, #tpu.memory_space<vmem>> -> memref<128xi32, #tpu.memory_space<vmem>>
      %dma_wait3A_69 = arith.constant 0 : i32
      %dma_wait3A_70 = arith.constant 0 : i32
      %dma_wait3A_71 = tpu.memref_slice %arg2[%dma_wait3A_69, %dma_wait3A_70] : memref<20480x128xf32, #tpu.memory_space<hbm>> -> memref<20480x128xf32, #tpu.memory_space<hbm>>
      tpu.wait_indirect_dma semaphore(%arg11 : memref<!tpu.dma_semaphore, #tpu.memory_space<semaphore_mem>>) src(%dma_wait3A_71 : memref<20480x128xf32, #tpu.memory_space<hbm>>) dst(%arg8 : memref<128x128xf32, #tpu.memory_space<vmem>>)
      "tpu.region"() ({
        %run_scoped3A = tpu.sem_alloc : memref<!tpu.dma_semaphore, #tpu.memory_space<semaphore_mem>>
        %dma_start3A_84 = arith.constant 0 : i32
        %dma_start3A_85 = tpu.memref_slice %arg7[%mul3A_58, %dma_start3A_84] : memref<40x128xi32, #tpu.memory_space<vmem>> -> memref<1x128xi32, #tpu.memory_space<vmem>>
        %dma_start3A_86 = tpu.memref_squeeze %dma_start3A_85 : memref<1x128xi32, #tpu.memory_space<vmem>> -> memref<128xi32, #tpu.memory_space<vmem>>
        %dma_start3A_87 = arith.constant 0 : i32
        %dma_start3A_88 = arith.constant 0 : i32
        %dma_start3A_89 = tpu.memref_slice %arg10[%dma_start3A_87, %dma_start3A_88] : memref<10240x128xf32, #tpu.memory_space<vmem_shared>> -> memref<10240x128xf32, #tpu.memory_space<vmem_shared>>
        tpu.enqueue_indirect_dma source(%arg8 : memref<128x128xf32, #tpu.memory_space<vmem>>) target(%dma_start3A_89 : memref<10240x128xf32, #tpu.memory_space<vmem_shared>>) offsets(%dma_start3A_86 : memref<128xi32, #tpu.memory_space<vmem>>) semaphore(%run_scoped3A : memref<!tpu.dma_semaphore, #tpu.memory_space<semaphore_mem>>) {add = true}
        %dma_wait3A_90 = arith.constant 0 : i32
        %dma_wait3A_91 = tpu.memref_slice %arg7[%mul3A_58, %dma_wait3A_90] : memref<40x128xi32, #tpu.memory_space<vmem>> -> memref<1x128xi32, #tpu.memory_space<vmem>>
        %dma_wait3A_92 = tpu.memref_squeeze %dma_wait3A_91 : memref<1x128xi32, #tpu.memory_space<vmem>> -> memref<128xi32, #tpu.memory_space<vmem>>
        %dma_wait3A_93 = arith.constant 0 : i32
        %dma_wait3A_94 = arith.constant 0 : i32
        %dma_wait3A_95 = tpu.memref_slice %arg10[%dma_wait3A_93, %dma_wait3A_94] : memref<10240x128xf32, #tpu.memory_space<vmem_shared>> -> memref<10240x128xf32, #tpu.memory_space<vmem_shared>>
        tpu.wait_indirect_dma semaphore(%run_scoped3A : memref<!tpu.dma_semaphore, #tpu.memory_space<semaphore_mem>>) src(%arg8 : memref<128x128xf32, #tpu.memory_space<vmem>>) dst(%dma_wait3A_95 : memref<10240x128xf32, #tpu.memory_space<vmem_shared>>)
        tpu.yield
      }) : () -> ()
      %lt3A = arith.constant 19 : i32
      %lt3A_72 = arith.cmpi slt, %scan3A_56, %lt3A : i32
      %convert_element_type3A = arith.extui %lt3A_72 : i1 to i32
      %cond3A = arith.constant 0 : i32
      %cond3A_73 = arith.cmpi ne, %convert_element_type3A, %cond3A : i32
      scf.if %cond3A_73 {
        %add3A_84 = arith.constant 2 : i32
        %add3A_85 = arith.addi %mul3A_58, %add3A_84 : i32
        %dma_start3A_86 = arith.constant 0 : i32
        %dma_start3A_87 = tpu.memref_slice %arg6[%add3A_85, %dma_start3A_86] : memref<40x128xi32, #tpu.memory_space<vmem>> -> memref<1x128xi32, #tpu.memory_space<vmem>>
        %dma_start3A_88 = tpu.memref_squeeze %dma_start3A_87 : memref<1x128xi32, #tpu.memory_space<vmem>> -> memref<128xi32, #tpu.memory_space<vmem>>
        %dma_start3A_89 = arith.constant 0 : i32
        %dma_start3A_90 = arith.constant 0 : i32
        %dma_start3A_91 = tpu.memref_slice %arg2[%dma_start3A_89, %dma_start3A_90] : memref<20480x128xf32, #tpu.memory_space<hbm>> -> memref<20480x128xf32, #tpu.memory_space<hbm>>
        tpu.enqueue_indirect_dma source(%dma_start3A_91 : memref<20480x128xf32, #tpu.memory_space<hbm>>) target(%arg8 : memref<128x128xf32, #tpu.memory_space<vmem>>) offsets(%dma_start3A_88 : memref<128xi32, #tpu.memory_space<vmem>>) semaphore(%arg11 : memref<!tpu.dma_semaphore, #tpu.memory_space<semaphore_mem>>)
      } else {
      }
      %add3A_74 = arith.constant 1 : i32
      %add3A_75 = arith.addi %mul3A_58, %add3A_74 : i32
      %dma_wait3A_76 = arith.constant 0 : i32
      %dma_wait3A_77 = tpu.memref_slice %arg6[%add3A_75, %dma_wait3A_76] : memref<40x128xi32, #tpu.memory_space<vmem>> -> memref<1x128xi32, #tpu.memory_space<vmem>>
      %dma_wait3A_78 = tpu.memref_squeeze %dma_wait3A_77 : memref<1x128xi32, #tpu.memory_space<vmem>> -> memref<128xi32, #tpu.memory_space<vmem>>
      %dma_wait3A_79 = arith.constant 0 : i32
      %dma_wait3A_80 = arith.constant 0 : i32
      %dma_wait3A_81 = tpu.memref_slice %arg2[%dma_wait3A_79, %dma_wait3A_80] : memref<20480x128xf32, #tpu.memory_space<hbm>> -> memref<20480x128xf32, #tpu.memory_space<hbm>>
      tpu.wait_indirect_dma semaphore(%arg12 : memref<!tpu.dma_semaphore, #tpu.memory_space<semaphore_mem>>) src(%dma_wait3A_81 : memref<20480x128xf32, #tpu.memory_space<hbm>>) dst(%arg9 : memref<128x128xf32, #tpu.memory_space<vmem>>)
      %add3A_82 = arith.constant 1 : i32
      %add3A_83 = arith.addi %mul3A_58, %add3A_82 : i32
      "tpu.region"() ({
        %run_scoped3A = tpu.sem_alloc : memref<!tpu.dma_semaphore, #tpu.memory_space<semaphore_mem>>
        %dma_start3A_84 = arith.constant 0 : i32
        %dma_start3A_85 = tpu.memref_slice %arg7[%add3A_83, %dma_start3A_84] : memref<40x128xi32, #tpu.memory_space<vmem>> -> memref<1x128xi32, #tpu.memory_space<vmem>>
        %dma_start3A_86 = tpu.memref_squeeze %dma_start3A_85 : memref<1x128xi32, #tpu.memory_space<vmem>> -> memref<128xi32, #tpu.memory_space<vmem>>
        %dma_start3A_87 = arith.constant 0 : i32
        %dma_start3A_88 = arith.constant 0 : i32
        %dma_start3A_89 = tpu.memref_slice %arg10[%dma_start3A_87, %dma_start3A_88] : memref<10240x128xf32, #tpu.memory_space<vmem_shared>> -> memref<10240x128xf32, #tpu.memory_space<vmem_shared>>
        tpu.enqueue_indirect_dma source(%arg9 : memref<128x128xf32, #tpu.memory_space<vmem>>) target(%dma_start3A_89 : memref<10240x128xf32, #tpu.memory_space<vmem_shared>>) offsets(%dma_start3A_86 : memref<128xi32, #tpu.memory_space<vmem>>) semaphore(%run_scoped3A : memref<!tpu.dma_semaphore, #tpu.memory_space<semaphore_mem>>) {add = true}
        %dma_wait3A_90 = arith.constant 0 : i32
        %dma_wait3A_91 = tpu.memref_slice %arg7[%add3A_83, %dma_wait3A_90] : memref<40x128xi32, #tpu.memory_space<vmem>> -> memref<1x128xi32, #tpu.memory_space<vmem>>
        %dma_wait3A_92 = tpu.memref_squeeze %dma_wait3A_91 : memref<1x128xi32, #tpu.memory_space<vmem>> -> memref<128xi32, #tpu.memory_space<vmem>>
        %dma_wait3A_93 = arith.constant 0 : i32
        %dma_wait3A_94 = arith.constant 0 : i32
        %dma_wait3A_95 = tpu.memref_slice %arg10[%dma_wait3A_93, %dma_wait3A_94] : memref<10240x128xf32, #tpu.memory_space<vmem_shared>> -> memref<10240x128xf32, #tpu.memory_space<vmem_shared>>
        tpu.wait_indirect_dma semaphore(%run_scoped3A : memref<!tpu.dma_semaphore, #tpu.memory_space<semaphore_mem>>) src(%arg9 : memref<128x128xf32, #tpu.memory_space<vmem>>) dst(%dma_wait3A_95 : memref<10240x128xf32, #tpu.memory_space<vmem_shared>>)
        tpu.yield
      }) : () -> ()
    }
    %scan3A_50 = arith.constant 20 : i32
    %barrier3A_51 = arith.constant 0 : index
    tpu.barrier barrier_id(%barrier3A_51)
    %mul3A_52 = arith.constant 640 : i32
    %mul3A_53 = arith.muli %arg1, %mul3A_52 : i32
    %mul3A_54 = arith.constant 640 : i32
    %mul3A_55 = arith.muli %arg1, %mul3A_54 : i32
    "tpu.region"() ({
      %run_scoped3A = tpu.sem_alloc : memref<!tpu.dma_semaphore, #tpu.memory_space<semaphore_mem>>
      %dma_start3A_56 = arith.constant 0 : i32
      %dma_start3A_57 = tpu.memref_slice %arg5[%arg0, %mul3A_55, %dma_start3A_56] : memref<2x10240x128xf32, #tpu.memory_space<hbm>> -> memref<1x640x128xf32, #tpu.memory_space<hbm>>
      %dma_start3A_58 = tpu.memref_squeeze %dma_start3A_57 : memref<1x640x128xf32, #tpu.memory_space<hbm>> -> memref<640x128xf32, #tpu.memory_space<hbm>>
      %dma_start3A_59 = arith.constant 0 : i32
      %dma_start3A_60 = tpu.memref_slice %arg10[%mul3A_53, %dma_start3A_59] : memref<10240x128xf32, #tpu.memory_space<vmem_shared>> -> memref<640x128xf32, #tpu.memory_space<vmem_shared>>
      tpu.enqueue_dma source(%dma_start3A_60 : memref<640x128xf32, #tpu.memory_space<vmem_shared>>) target(%dma_start3A_58 : memref<640x128xf32, #tpu.memory_space<hbm>>) target_semaphore(%run_scoped3A : memref<!tpu.dma_semaphore, #tpu.memory_space<semaphore_mem>>)
      %dma_wait3A = arith.constant 0 : i32
      %dma_wait3A_61 = tpu.memref_slice %arg5[%arg0, %mul3A_55, %dma_wait3A] : memref<2x10240x128xf32, #tpu.memory_space<hbm>> -> memref<1x640x128xf32, #tpu.memory_space<hbm>>
      %dma_wait3A_62 = tpu.memref_squeeze %dma_wait3A_61 : memref<1x640x128xf32, #tpu.memory_space<hbm>> -> memref<640x128xf32, #tpu.memory_space<hbm>>
      %dma_wait3A_63 = arith.constant 0 : i32
      %dma_wait3A_64 = tpu.memref_slice %arg10[%mul3A_53, %dma_wait3A_63] : memref<10240x128xf32, #tpu.memory_space<vmem_shared>> -> memref<640x128xf32, #tpu.memory_space<vmem_shared>>
      tpu.wait_dma2 semaphore(%run_scoped3A : memref<!tpu.dma_semaphore, #tpu.memory_space<semaphore_mem>>) src(%dma_wait3A_64 : memref<640x128xf32, #tpu.memory_space<vmem_shared>>) dst(%dma_wait3A_62 : memref<640x128xf32, #tpu.memory_space<hbm>>)
      tpu.yield
    }) : () -> ()
    return
  }
}

#map = affine_map<(d0, d1) -> (0, 0)>
#map1 = affine_map<(d0, d1) -> (0, 0, 0)>
module attributes {stable_mosaic.version = 14 : i64} {
  func.func @_aggD_body(%arg0: i32, %arg1: i32, %arg2: memref<10240x128xf32, #tpu.memory_space<hbm>>, %arg3: memref<1280x128xi32, #tpu.memory_space<hbm>>, %arg4: memref<1280x128xi32, #tpu.memory_space<hbm>>, %arg5: memref<10240x128xf32, #tpu.memory_space<hbm>>, %arg6: memref<2x10240x128xf32, #tpu.memory_space<hbm>>, %arg7: memref<40x128xi32, #tpu.memory_space<vmem>>, %arg8: memref<40x128xi32, #tpu.memory_space<vmem>>, %arg9: memref<128x128xf32, #tpu.memory_space<vmem>>, %arg10: memref<128x128xf32, #tpu.memory_space<vmem>>, %arg11: memref<10240x128xf32, #tpu.memory_space<vmem_shared>>, %arg12: memref<!tpu.dma_semaphore, #tpu.memory_space<semaphore_mem>>, %arg13: memref<!tpu.dma_semaphore, #tpu.memory_space<semaphore_mem>>) attributes {dimension_semantics = [#tpu.dimension_semantics<core_parallel>, #tpu.dimension_semantics<subcore_parallel>], iteration_bounds = array<i64: 2, 16>, scalar_prefetch = 0 : i64, scratch_operands = 7 : i64, tpu.core_type = #tpu.core_type<sc_vector_subcore>, window_params = [{transform_indices = #map}, {transform_indices = #map}, {transform_indices = #map}, {transform_indices = #map}, {transform_indices = #map1}]} {
    %mul3A = arith.constant 16 : i32
    %mul3A_0 = arith.muli %arg0, %mul3A : i32
    %add3A = arith.addi %mul3A_0, %arg1 : i32
    %mul3A_1 = arith.constant 40 : i32
    %mul3A_2 = arith.muli %add3A, %mul3A_1 : i32
    "tpu.region"() ({
      %run_scoped3A = tpu.sem_alloc : memref<!tpu.dma_semaphore, #tpu.memory_space<semaphore_mem>>
      %dma_start3A_28 = arith.constant 0 : i32
      %dma_start3A_29 = tpu.memref_slice %arg3[%mul3A_2, %dma_start3A_28] : memref<1280x128xi32, #tpu.memory_space<hbm>> -> memref<40x128xi32, #tpu.memory_space<hbm>>
      %dma_start3A_30 = arith.constant 0 : i32
      %dma_start3A_31 = tpu.memref_slice %arg3[%mul3A_2, %dma_start3A_30] : memref<1280x128xi32, #tpu.memory_space<hbm>> -> memref<40x128xi32, #tpu.memory_space<hbm>>
      tpu.enqueue_dma source(%dma_start3A_31 : memref<40x128xi32, #tpu.memory_space<hbm>>) target(%arg7 : memref<40x128xi32, #tpu.memory_space<vmem>>) target_semaphore(%run_scoped3A : memref<!tpu.dma_semaphore, #tpu.memory_space<semaphore_mem>>)
      %dma_wait3A = arith.constant 0 : i32
      %dma_wait3A_32 = tpu.memref_slice %arg3[%mul3A_2, %dma_wait3A] : memref<1280x128xi32, #tpu.memory_space<hbm>> -> memref<40x128xi32, #tpu.memory_space<hbm>>
      %dma_wait3A_33 = arith.constant 0 : i32
      %dma_wait3A_34 = tpu.memref_slice %arg3[%mul3A_2, %dma_wait3A_33] : memref<1280x128xi32, #tpu.memory_space<hbm>> -> memref<40x128xi32, #tpu.memory_space<hbm>>
      tpu.wait_dma2 semaphore(%run_scoped3A : memref<!tpu.dma_semaphore, #tpu.memory_space<semaphore_mem>>) src(%dma_wait3A_34 : memref<40x128xi32, #tpu.memory_space<hbm>>) dst(%arg7 : memref<40x128xi32, #tpu.memory_space<vmem>>)
      tpu.yield
    }) : () -> ()
    %mul3A_3 = arith.constant 40 : i32
    %mul3A_4 = arith.muli %add3A, %mul3A_3 : i32
    "tpu.region"() ({
      %run_scoped3A = tpu.sem_alloc : memref<!tpu.dma_semaphore, #tpu.memory_space<semaphore_mem>>
      %dma_start3A_28 = arith.constant 0 : i32
      %dma_start3A_29 = tpu.memref_slice %arg4[%mul3A_4, %dma_start3A_28] : memref<1280x128xi32, #tpu.memory_space<hbm>> -> memref<40x128xi32, #tpu.memory_space<hbm>>
      %dma_start3A_30 = arith.constant 0 : i32
      %dma_start3A_31 = tpu.memref_slice %arg4[%mul3A_4, %dma_start3A_30] : memref<1280x128xi32, #tpu.memory_space<hbm>> -> memref<40x128xi32, #tpu.memory_space<hbm>>
      tpu.enqueue_dma source(%dma_start3A_31 : memref<40x128xi32, #tpu.memory_space<hbm>>) target(%arg8 : memref<40x128xi32, #tpu.memory_space<vmem>>) target_semaphore(%run_scoped3A : memref<!tpu.dma_semaphore, #tpu.memory_space<semaphore_mem>>)
      %dma_wait3A = arith.constant 0 : i32
      %dma_wait3A_32 = tpu.memref_slice %arg4[%mul3A_4, %dma_wait3A] : memref<1280x128xi32, #tpu.memory_space<hbm>> -> memref<40x128xi32, #tpu.memory_space<hbm>>
      %dma_wait3A_33 = arith.constant 0 : i32
      %dma_wait3A_34 = tpu.memref_slice %arg4[%mul3A_4, %dma_wait3A_33] : memref<1280x128xi32, #tpu.memory_space<hbm>> -> memref<40x128xi32, #tpu.memory_space<hbm>>
      tpu.wait_dma2 semaphore(%run_scoped3A : memref<!tpu.dma_semaphore, #tpu.memory_space<semaphore_mem>>) src(%dma_wait3A_34 : memref<40x128xi32, #tpu.memory_space<hbm>>) dst(%arg8 : memref<40x128xi32, #tpu.memory_space<vmem>>)
      tpu.yield
    }) : () -> ()
    %eq3A = arith.constant 0 : i32
    %eq3A_5 = arith.cmpi eq, %arg0, %eq3A : i32
    %convert_element_type3A = arith.extui %eq3A_5 : i1 to i32
    %cond3A = arith.constant 0 : i32
    %cond3A_6 = arith.cmpi ne, %convert_element_type3A, %cond3A : i32
    scf.if %cond3A_6 {
      %mul3A_28 = arith.constant 640 : i32
      %mul3A_29 = arith.muli %arg1, %mul3A_28 : i32
      %mul3A_30 = arith.constant 640 : i32
      %mul3A_31 = arith.muli %arg1, %mul3A_30 : i32
      "tpu.region"() ({
        %run_scoped3A = tpu.sem_alloc : memref<!tpu.dma_semaphore, #tpu.memory_space<semaphore_mem>>
        %dma_start3A_32 = arith.constant 0 : i32
        %dma_start3A_33 = tpu.memref_slice %arg11[%mul3A_31, %dma_start3A_32] : memref<10240x128xf32, #tpu.memory_space<vmem_shared>> -> memref<640x128xf32, #tpu.memory_space<vmem_shared>>
        %dma_start3A_34 = arith.constant 0 : i32
        %dma_start3A_35 = tpu.memref_slice %arg2[%mul3A_29, %dma_start3A_34] : memref<10240x128xf32, #tpu.memory_space<hbm>> -> memref<640x128xf32, #tpu.memory_space<hbm>>
        tpu.enqueue_dma source(%dma_start3A_35 : memref<640x128xf32, #tpu.memory_space<hbm>>) target(%dma_start3A_33 : memref<640x128xf32, #tpu.memory_space<vmem_shared>>) target_semaphore(%run_scoped3A : memref<!tpu.dma_semaphore, #tpu.memory_space<semaphore_mem>>)
        %dma_wait3A = arith.constant 0 : i32
        %dma_wait3A_36 = tpu.memref_slice %arg11[%mul3A_31, %dma_wait3A] : memref<10240x128xf32, #tpu.memory_space<vmem_shared>> -> memref<640x128xf32, #tpu.memory_space<vmem_shared>>
        %dma_wait3A_37 = arith.constant 0 : i32
        %dma_wait3A_38 = tpu.memref_slice %arg2[%mul3A_29, %dma_wait3A_37] : memref<10240x128xf32, #tpu.memory_space<hbm>> -> memref<640x128xf32, #tpu.memory_space<hbm>>
        tpu.wait_dma2 semaphore(%run_scoped3A : memref<!tpu.dma_semaphore, #tpu.memory_space<semaphore_mem>>) src(%dma_wait3A_38 : memref<640x128xf32, #tpu.memory_space<hbm>>) dst(%dma_wait3A_36 : memref<640x128xf32, #tpu.memory_space<vmem_shared>>)
        tpu.yield
      }) : () -> ()
    } else {
    }
    %eq3A_7 = arith.constant 1 : i32
    %eq3A_8 = arith.cmpi eq, %arg0, %eq3A_7 : i32
    %convert_element_type3A_9 = arith.extui %eq3A_8 : i1 to i32
    %cond3A_10 = arith.constant 0 : i32
    %cond3A_11 = arith.cmpi ne, %convert_element_type3A_9, %cond3A_10 : i32
    scf.if %cond3A_11 {
      %mul3A_28 = arith.constant 640 : i32
      %mul3A_29 = arith.muli %arg1, %mul3A_28 : i32
      %mul3A_30 = arith.constant 640 : i32
      %mul3A_31 = arith.muli %arg1, %mul3A_30 : i32
      "tpu.region"() ({
        %run_scoped3A = tpu.sem_alloc : memref<!tpu.dma_semaphore, #tpu.memory_space<semaphore_mem>>
        %dma_start3A_32 = arith.constant 0 : i32
        %dma_start3A_33 = tpu.memref_slice %arg11[%mul3A_31, %dma_start3A_32] : memref<10240x128xf32, #tpu.memory_space<vmem_shared>> -> memref<640x128xf32, #tpu.memory_space<vmem_shared>>
        %dma_start3A_34 = arith.constant 0 : i32
        %dma_start3A_35 = tpu.memref_slice %arg5[%mul3A_29, %dma_start3A_34] : memref<10240x128xf32, #tpu.memory_space<hbm>> -> memref<640x128xf32, #tpu.memory_space<hbm>>
        tpu.enqueue_dma source(%dma_start3A_35 : memref<640x128xf32, #tpu.memory_space<hbm>>) target(%dma_start3A_33 : memref<640x128xf32, #tpu.memory_space<vmem_shared>>) target_semaphore(%run_scoped3A : memref<!tpu.dma_semaphore, #tpu.memory_space<semaphore_mem>>)
        %dma_wait3A = arith.constant 0 : i32
        %dma_wait3A_36 = tpu.memref_slice %arg11[%mul3A_31, %dma_wait3A] : memref<10240x128xf32, #tpu.memory_space<vmem_shared>> -> memref<640x128xf32, #tpu.memory_space<vmem_shared>>
        %dma_wait3A_37 = arith.constant 0 : i32
        %dma_wait3A_38 = tpu.memref_slice %arg5[%mul3A_29, %dma_wait3A_37] : memref<10240x128xf32, #tpu.memory_space<hbm>> -> memref<640x128xf32, #tpu.memory_space<hbm>>
        tpu.wait_dma2 semaphore(%run_scoped3A : memref<!tpu.dma_semaphore, #tpu.memory_space<semaphore_mem>>) src(%dma_wait3A_38 : memref<640x128xf32, #tpu.memory_space<hbm>>) dst(%dma_wait3A_36 : memref<640x128xf32, #tpu.memory_space<vmem_shared>>)
        tpu.yield
      }) : () -> ()
    } else {
    }
    %barrier3A = arith.constant 0 : index
    tpu.barrier barrier_id(%barrier3A)
    %dma_start3A = arith.constant 0 : i32
    %dma_start3A_12 = arith.constant 0 : i32
    %dma_start3A_13 = tpu.memref_slice %arg7[%dma_start3A, %dma_start3A_12] : memref<40x128xi32, #tpu.memory_space<vmem>> -> memref<1x128xi32, #tpu.memory_space<vmem>>
    %dma_start3A_14 = tpu.memref_squeeze %dma_start3A_13 : memref<1x128xi32, #tpu.memory_space<vmem>> -> memref<128xi32, #tpu.memory_space<vmem>>
    %dma_start3A_15 = arith.constant 0 : i32
    %dma_start3A_16 = arith.constant 0 : i32
    %dma_start3A_17 = tpu.memref_slice %arg2[%dma_start3A_15, %dma_start3A_16] : memref<10240x128xf32, #tpu.memory_space<hbm>> -> memref<10240x128xf32, #tpu.memory_space<hbm>>
    tpu.enqueue_indirect_dma source(%dma_start3A_17 : memref<10240x128xf32, #tpu.memory_space<hbm>>) target(%arg9 : memref<128x128xf32, #tpu.memory_space<vmem>>) offsets(%dma_start3A_14 : memref<128xi32, #tpu.memory_space<vmem>>) semaphore(%arg12 : memref<!tpu.dma_semaphore, #tpu.memory_space<semaphore_mem>>)
    %scan3A = arith.constant 0 : i32
    %scan3A_18 = arith.constant 0 : i32
    %scan3A_19 = arith.constant 20 : i32
    %scan3A_20 = arith.addi %scan3A_18, %scan3A_19 : i32
    %scan3A_21 = arith.constant 1 : i32
    scf.for %scan3A_28 = %scan3A_18 to %scan3A_20 step %scan3A_21  : i32 {
      %mul3A_29 = arith.constant 2 : i32
      %mul3A_30 = arith.muli %mul3A_29, %scan3A_28 : i32
      %add3A_31 = arith.constant 1 : i32
      %add3A_32 = arith.addi %mul3A_30, %add3A_31 : i32
      %dma_start3A_33 = arith.constant 0 : i32
      %dma_start3A_34 = tpu.memref_slice %arg7[%add3A_32, %dma_start3A_33] : memref<40x128xi32, #tpu.memory_space<vmem>> -> memref<1x128xi32, #tpu.memory_space<vmem>>
      %dma_start3A_35 = tpu.memref_squeeze %dma_start3A_34 : memref<1x128xi32, #tpu.memory_space<vmem>> -> memref<128xi32, #tpu.memory_space<vmem>>
      %dma_start3A_36 = arith.constant 0 : i32
      %dma_start3A_37 = arith.constant 0 : i32
      %dma_start3A_38 = tpu.memref_slice %arg2[%dma_start3A_36, %dma_start3A_37] : memref<10240x128xf32, #tpu.memory_space<hbm>> -> memref<10240x128xf32, #tpu.memory_space<hbm>>
      tpu.enqueue_indirect_dma source(%dma_start3A_38 : memref<10240x128xf32, #tpu.memory_space<hbm>>) target(%arg10 : memref<128x128xf32, #tpu.memory_space<vmem>>) offsets(%dma_start3A_35 : memref<128xi32, #tpu.memory_space<vmem>>) semaphore(%arg13 : memref<!tpu.dma_semaphore, #tpu.memory_space<semaphore_mem>>)
      %dma_wait3A = arith.constant 0 : i32
      %dma_wait3A_39 = tpu.memref_slice %arg7[%mul3A_30, %dma_wait3A] : memref<40x128xi32, #tpu.memory_space<vmem>> -> memref<1x128xi32, #tpu.memory_space<vmem>>
      %dma_wait3A_40 = tpu.memref_squeeze %dma_wait3A_39 : memref<1x128xi32, #tpu.memory_space<vmem>> -> memref<128xi32, #tpu.memory_space<vmem>>
      %dma_wait3A_41 = arith.constant 0 : i32
      %dma_wait3A_42 = arith.constant 0 : i32
      %dma_wait3A_43 = tpu.memref_slice %arg2[%dma_wait3A_41, %dma_wait3A_42] : memref<10240x128xf32, #tpu.memory_space<hbm>> -> memref<10240x128xf32, #tpu.memory_space<hbm>>
      tpu.wait_indirect_dma semaphore(%arg12 : memref<!tpu.dma_semaphore, #tpu.memory_space<semaphore_mem>>) src(%dma_wait3A_43 : memref<10240x128xf32, #tpu.memory_space<hbm>>) dst(%arg9 : memref<128x128xf32, #tpu.memory_space<vmem>>)
      "tpu.region"() ({
        %run_scoped3A = tpu.sem_alloc : memref<!tpu.dma_semaphore, #tpu.memory_space<semaphore_mem>>
        %dma_start3A_58 = arith.constant 0 : i32
        %dma_start3A_59 = tpu.memref_slice %arg8[%mul3A_30, %dma_start3A_58] : memref<40x128xi32, #tpu.memory_space<vmem>> -> memref<1x128xi32, #tpu.memory_space<vmem>>
        %dma_start3A_60 = tpu.memref_squeeze %dma_start3A_59 : memref<1x128xi32, #tpu.memory_space<vmem>> -> memref<128xi32, #tpu.memory_space<vmem>>
        %dma_start3A_61 = arith.constant 0 : i32
        %dma_start3A_62 = arith.constant 0 : i32
        %dma_start3A_63 = tpu.memref_slice %arg11[%dma_start3A_61, %dma_start3A_62] : memref<10240x128xf32, #tpu.memory_space<vmem_shared>> -> memref<10240x128xf32, #tpu.memory_space<vmem_shared>>
        tpu.enqueue_indirect_dma source(%arg9 : memref<128x128xf32, #tpu.memory_space<vmem>>) target(%dma_start3A_63 : memref<10240x128xf32, #tpu.memory_space<vmem_shared>>) offsets(%dma_start3A_60 : memref<128xi32, #tpu.memory_space<vmem>>) semaphore(%run_scoped3A : memref<!tpu.dma_semaphore, #tpu.memory_space<semaphore_mem>>) {add = true}
        %dma_wait3A_64 = arith.constant 0 : i32
        %dma_wait3A_65 = tpu.memref_slice %arg8[%mul3A_30, %dma_wait3A_64] : memref<40x128xi32, #tpu.memory_space<vmem>> -> memref<1x128xi32, #tpu.memory_space<vmem>>
        %dma_wait3A_66 = tpu.memref_squeeze %dma_wait3A_65 : memref<1x128xi32, #tpu.memory_space<vmem>> -> memref<128xi32, #tpu.memory_space<vmem>>
        %dma_wait3A_67 = arith.constant 0 : i32
        %dma_wait3A_68 = arith.constant 0 : i32
        %dma_wait3A_69 = tpu.memref_slice %arg11[%dma_wait3A_67, %dma_wait3A_68] : memref<10240x128xf32, #tpu.memory_space<vmem_shared>> -> memref<10240x128xf32, #tpu.memory_space<vmem_shared>>
        tpu.wait_indirect_dma semaphore(%run_scoped3A : memref<!tpu.dma_semaphore, #tpu.memory_space<semaphore_mem>>) src(%arg9 : memref<128x128xf32, #tpu.memory_space<vmem>>) dst(%dma_wait3A_69 : memref<10240x128xf32, #tpu.memory_space<vmem_shared>>)
        tpu.yield
      }) : () -> ()
      %lt3A = arith.constant 19 : i32
      %lt3A_44 = arith.cmpi slt, %scan3A_28, %lt3A : i32
      %convert_element_type3A_45 = arith.extui %lt3A_44 : i1 to i32
      %cond3A_46 = arith.constant 0 : i32
      %cond3A_47 = arith.cmpi ne, %convert_element_type3A_45, %cond3A_46 : i32
      scf.if %cond3A_47 {
        %add3A_58 = arith.constant 2 : i32
        %add3A_59 = arith.addi %mul3A_30, %add3A_58 : i32
        %dma_start3A_60 = arith.constant 0 : i32
        %dma_start3A_61 = tpu.memref_slice %arg7[%add3A_59, %dma_start3A_60] : memref<40x128xi32, #tpu.memory_space<vmem>> -> memref<1x128xi32, #tpu.memory_space<vmem>>
        %dma_start3A_62 = tpu.memref_squeeze %dma_start3A_61 : memref<1x128xi32, #tpu.memory_space<vmem>> -> memref<128xi32, #tpu.memory_space<vmem>>
        %dma_start3A_63 = arith.constant 0 : i32
        %dma_start3A_64 = arith.constant 0 : i32
        %dma_start3A_65 = tpu.memref_slice %arg2[%dma_start3A_63, %dma_start3A_64] : memref<10240x128xf32, #tpu.memory_space<hbm>> -> memref<10240x128xf32, #tpu.memory_space<hbm>>
        tpu.enqueue_indirect_dma source(%dma_start3A_65 : memref<10240x128xf32, #tpu.memory_space<hbm>>) target(%arg9 : memref<128x128xf32, #tpu.memory_space<vmem>>) offsets(%dma_start3A_62 : memref<128xi32, #tpu.memory_space<vmem>>) semaphore(%arg12 : memref<!tpu.dma_semaphore, #tpu.memory_space<semaphore_mem>>)
      } else {
      }
      %add3A_48 = arith.constant 1 : i32
      %add3A_49 = arith.addi %mul3A_30, %add3A_48 : i32
      %dma_wait3A_50 = arith.constant 0 : i32
      %dma_wait3A_51 = tpu.memref_slice %arg7[%add3A_49, %dma_wait3A_50] : memref<40x128xi32, #tpu.memory_space<vmem>> -> memref<1x128xi32, #tpu.memory_space<vmem>>
      %dma_wait3A_52 = tpu.memref_squeeze %dma_wait3A_51 : memref<1x128xi32, #tpu.memory_space<vmem>> -> memref<128xi32, #tpu.memory_space<vmem>>
      %dma_wait3A_53 = arith.constant 0 : i32
      %dma_wait3A_54 = arith.constant 0 : i32
      %dma_wait3A_55 = tpu.memref_slice %arg2[%dma_wait3A_53, %dma_wait3A_54] : memref<10240x128xf32, #tpu.memory_space<hbm>> -> memref<10240x128xf32, #tpu.memory_space<hbm>>
      tpu.wait_indirect_dma semaphore(%arg13 : memref<!tpu.dma_semaphore, #tpu.memory_space<semaphore_mem>>) src(%dma_wait3A_55 : memref<10240x128xf32, #tpu.memory_space<hbm>>) dst(%arg10 : memref<128x128xf32, #tpu.memory_space<vmem>>)
      %add3A_56 = arith.constant 1 : i32
      %add3A_57 = arith.addi %mul3A_30, %add3A_56 : i32
      "tpu.region"() ({
        %run_scoped3A = tpu.sem_alloc : memref<!tpu.dma_semaphore, #tpu.memory_space<semaphore_mem>>
        %dma_start3A_58 = arith.constant 0 : i32
        %dma_start3A_59 = tpu.memref_slice %arg8[%add3A_57, %dma_start3A_58] : memref<40x128xi32, #tpu.memory_space<vmem>> -> memref<1x128xi32, #tpu.memory_space<vmem>>
        %dma_start3A_60 = tpu.memref_squeeze %dma_start3A_59 : memref<1x128xi32, #tpu.memory_space<vmem>> -> memref<128xi32, #tpu.memory_space<vmem>>
        %dma_start3A_61 = arith.constant 0 : i32
        %dma_start3A_62 = arith.constant 0 : i32
        %dma_start3A_63 = tpu.memref_slice %arg11[%dma_start3A_61, %dma_start3A_62] : memref<10240x128xf32, #tpu.memory_space<vmem_shared>> -> memref<10240x128xf32, #tpu.memory_space<vmem_shared>>
        tpu.enqueue_indirect_dma source(%arg10 : memref<128x128xf32, #tpu.memory_space<vmem>>) target(%dma_start3A_63 : memref<10240x128xf32, #tpu.memory_space<vmem_shared>>) offsets(%dma_start3A_60 : memref<128xi32, #tpu.memory_space<vmem>>) semaphore(%run_scoped3A : memref<!tpu.dma_semaphore, #tpu.memory_space<semaphore_mem>>) {add = true}
        %dma_wait3A_64 = arith.constant 0 : i32
        %dma_wait3A_65 = tpu.memref_slice %arg8[%add3A_57, %dma_wait3A_64] : memref<40x128xi32, #tpu.memory_space<vmem>> -> memref<1x128xi32, #tpu.memory_space<vmem>>
        %dma_wait3A_66 = tpu.memref_squeeze %dma_wait3A_65 : memref<1x128xi32, #tpu.memory_space<vmem>> -> memref<128xi32, #tpu.memory_space<vmem>>
        %dma_wait3A_67 = arith.constant 0 : i32
        %dma_wait3A_68 = arith.constant 0 : i32
        %dma_wait3A_69 = tpu.memref_slice %arg11[%dma_wait3A_67, %dma_wait3A_68] : memref<10240x128xf32, #tpu.memory_space<vmem_shared>> -> memref<10240x128xf32, #tpu.memory_space<vmem_shared>>
        tpu.wait_indirect_dma semaphore(%run_scoped3A : memref<!tpu.dma_semaphore, #tpu.memory_space<semaphore_mem>>) src(%arg10 : memref<128x128xf32, #tpu.memory_space<vmem>>) dst(%dma_wait3A_69 : memref<10240x128xf32, #tpu.memory_space<vmem_shared>>)
        tpu.yield
      }) : () -> ()
    }
    %scan3A_22 = arith.constant 20 : i32
    %barrier3A_23 = arith.constant 0 : index
    tpu.barrier barrier_id(%barrier3A_23)
    %mul3A_24 = arith.constant 640 : i32
    %mul3A_25 = arith.muli %arg1, %mul3A_24 : i32
    %mul3A_26 = arith.constant 640 : i32
    %mul3A_27 = arith.muli %arg1, %mul3A_26 : i32
    "tpu.region"() ({
      %run_scoped3A = tpu.sem_alloc : memref<!tpu.dma_semaphore, #tpu.memory_space<semaphore_mem>>
      %dma_start3A_28 = arith.constant 0 : i32
      %dma_start3A_29 = tpu.memref_slice %arg6[%arg0, %mul3A_27, %dma_start3A_28] : memref<2x10240x128xf32, #tpu.memory_space<hbm>> -> memref<1x640x128xf32, #tpu.memory_space<hbm>>
      %dma_start3A_30 = tpu.memref_squeeze %dma_start3A_29 : memref<1x640x128xf32, #tpu.memory_space<hbm>> -> memref<640x128xf32, #tpu.memory_space<hbm>>
      %dma_start3A_31 = arith.constant 0 : i32
      %dma_start3A_32 = tpu.memref_slice %arg11[%mul3A_25, %dma_start3A_31] : memref<10240x128xf32, #tpu.memory_space<vmem_shared>> -> memref<640x128xf32, #tpu.memory_space<vmem_shared>>
      tpu.enqueue_dma source(%dma_start3A_32 : memref<640x128xf32, #tpu.memory_space<vmem_shared>>) target(%dma_start3A_30 : memref<640x128xf32, #tpu.memory_space<hbm>>) target_semaphore(%run_scoped3A : memref<!tpu.dma_semaphore, #tpu.memory_space<semaphore_mem>>)
      %dma_wait3A = arith.constant 0 : i32
      %dma_wait3A_33 = tpu.memref_slice %arg6[%arg0, %mul3A_27, %dma_wait3A] : memref<2x10240x128xf32, #tpu.memory_space<hbm>> -> memref<1x640x128xf32, #tpu.memory_space<hbm>>
      %dma_wait3A_34 = tpu.memref_squeeze %dma_wait3A_33 : memref<1x640x128xf32, #tpu.memory_space<hbm>> -> memref<640x128xf32, #tpu.memory_space<hbm>>
      %dma_wait3A_35 = arith.constant 0 : i32
      %dma_wait3A_36 = tpu.memref_slice %arg11[%mul3A_25, %dma_wait3A_35] : memref<10240x128xf32, #tpu.memory_space<vmem_shared>> -> memref<640x128xf32, #tpu.memory_space<vmem_shared>>
      tpu.wait_dma2 semaphore(%run_scoped3A : memref<!tpu.dma_semaphore, #tpu.memory_space<semaphore_mem>>) src(%dma_wait3A_36 : memref<640x128xf32, #tpu.memory_space<vmem_shared>>) dst(%dma_wait3A_34 : memref<640x128xf32, #tpu.memory_space<hbm>>)
      tpu.yield
    }) : () -> ()
    return
  }
}

module attributes {stable_mosaic.version = 14 : i64} {
  func.func @_tcA_body(%arg0: i32, %arg1: memref<400x128xf32, #tpu.memory_space<vmem>>, %arg2: memref<400x128xf32, #tpu.memory_space<vmem>>, %arg3: memref<400x256xf32, #tpu.memory_space<vmem>>, %arg4: memref<400x128xf32, #tpu.memory_space<vmem>>, %arg5: memref<400x128xf32, #tpu.memory_space<vmem>>, %arg6: memref<400x1xf32, #tpu.memory_space<vmem>>) attributes {dimension_semantics = [#tpu.dimension_semantics<arbitrary>], iteration_bounds = array<i64: 25>, scalar_prefetch = 0 : i64, scratch_operands = 0 : i64, tpu.core_type = #tpu.core_type<tc>, window_params = [{transform_indices = @transform_0, window_bounds = array<i64: 400, 128>}, {transform_indices = @transform_1, window_bounds = array<i64: 400, 128>}, {transform_indices = @transform_2, window_bounds = array<i64: 400, 256>}, {transform_indices = @transform_3, window_bounds = array<i64: 400, 128>}, {transform_indices = @transform_4, window_bounds = array<i64: 400, 128>}, {transform_indices = @transform_5, window_bounds = array<i64: 400, 1>}]} {
    %get3A = arith.constant 0 : index
    %get3A_0 = arith.constant 0 : index
    %get3A_1 = vector.load %arg1[%get3A, %get3A_0] : memref<400x128xf32, #tpu.memory_space<vmem>>, vector<400x1xf32>
    %get3A_2 = arith.constant 0 : index
    %get3A_3 = arith.constant 0 : index
    %get3A_4 = vector.load %arg2[%get3A_2, %get3A_3] : memref<400x128xf32, #tpu.memory_space<vmem>>, vector<400x1xf32>
    %add3A = arith.addf %get3A_1, %get3A_4 : vector<400x1xf32>
    %add3A_5 = arith.constant 1.000000e+00 : f32
    %add3A_6 = vector.broadcast %add3A_5 : f32 to vector<400x1xf32>
    %add3A_7 = arith.addf %add3A, %add3A_6 : vector<400x1xf32>
    %rsqrt3A = math.rsqrt %add3A_7 : vector<400x1xf32>
    %get3A_8 = arith.constant 0 : index
    %get3A_9 = arith.constant 0 : index
    %get3A_10 = vector.load %arg3[%get3A_8, %get3A_9] : memref<400x256xf32, #tpu.memory_space<vmem>>, vector<400x256xf32>
    %mul3A = vector.broadcast %rsqrt3A : vector<400x1xf32> to vector<400x256xf32>
    %mul3A_11 = arith.mulf %get3A_10, %mul3A : vector<400x256xf32>
    %slice3A = vector.extract_strided_slice %mul3A_11 {offsets = [0, 0], sizes = [400, 128], strides = [1, 1]} : vector<400x256xf32> to vector<400x128xf32>
    %swap3A = arith.constant 0 : index
    %swap3A_12 = arith.constant 0 : index
    %swap3A_13 = vector.load %arg4[%swap3A, %swap3A_12] : memref<400x128xf32, #tpu.memory_space<vmem>>, vector<400x128xf32>
    tpu.vector_store %arg4[%swap3A, %swap3A_12], %slice3A {strides = array<i32>} : memref<400x128xf32, #tpu.memory_space<vmem>>, vector<400x128xf32>,
    %slice3A_14 = vector.extract_strided_slice %mul3A_11 {offsets = [0, 128], sizes = [400, 128], strides = [1, 1]} : vector<400x256xf32> to vector<400x128xf32>
    %swap3A_15 = arith.constant 0 : index
    %swap3A_16 = arith.constant 0 : index
    %swap3A_17 = vector.load %arg5[%swap3A_15, %swap3A_16] : memref<400x128xf32, #tpu.memory_space<vmem>>, vector<400x128xf32>
    tpu.vector_store %arg5[%swap3A_15, %swap3A_16], %slice3A_14 {strides = array<i32>} : memref<400x128xf32, #tpu.memory_space<vmem>>, vector<400x128xf32>,
    %swap3A_18 = arith.constant 0 : index
    %swap3A_19 = arith.constant 0 : index
    %swap3A_20 = vector.load %arg6[%swap3A_18, %swap3A_19] : memref<400x1xf32, #tpu.memory_space<vmem>>, vector<400x1xf32>
    tpu.vector_store %arg6[%swap3A_18, %swap3A_19], %rsqrt3A {strides = array<i32>} : memref<400x1xf32, #tpu.memory_space<vmem>>, vector<400x1xf32>,
    return
  }
  func.func @transform_0(%arg0: i32) -> (i32, i32) {
    %c0_i32 = arith.constant 0 : i32
    %c0_i32_0 = arith.constant 0 : i32
    return %arg0, %c0_i32 : i32, i32
  }
  func.func @transform_1(%arg0: i32) -> (i32, i32) {
    %c0_i32 = arith.constant 0 : i32
    %c0_i32_0 = arith.constant 0 : i32
    return %arg0, %c0_i32 : i32, i32
  }
  func.func @transform_2(%arg0: i32) -> (i32, i32) {
    %c0_i32 = arith.constant 0 : i32
    %c0_i32_0 = arith.constant 0 : i32
    return %arg0, %c0_i32 : i32, i32
  }
  func.func @transform_3(%arg0: i32) -> (i32, i32) {
    %c0_i32 = arith.constant 0 : i32
    %c0_i32_0 = arith.constant 0 : i32
    return %arg0, %c0_i32 : i32, i32
  }
  func.func @transform_4(%arg0: i32) -> (i32, i32) {
    %c0_i32 = arith.constant 0 : i32
    %c0_i32_0 = arith.constant 0 : i32
    return %arg0, %c0_i32 : i32, i32
  }
  func.func @transform_5(%arg0: i32) -> (i32, i32) {
    %c0_i32 = arith.constant 0 : i32
    %c0_i32_0 = arith.constant 0 : i32
    return %arg0, %c0_i32 : i32, i32
  }
}

module attributes {stable_mosaic.version = 14 : i64} {
  func.func @_tcC_body(%arg0: i32, %arg1: memref<400x128xf32, #tpu.memory_space<vmem>>, %arg2: memref<400x128xf32, #tpu.memory_space<vmem>>, %arg3: memref<400x1xf32, #tpu.memory_space<vmem>>, %arg4: memref<128x512xf32, #tpu.memory_space<vmem>>, %arg5: memref<128x512xf32, #tpu.memory_space<vmem>>, %arg6: memref<1x512xf32, #tpu.memory_space<vmem>>, %arg7: memref<512x128xf32, #tpu.memory_space<vmem>>, %arg8: memref<400x128xf32, #tpu.memory_space<vmem>>) attributes {dimension_semantics = [#tpu.dimension_semantics<arbitrary>], iteration_bounds = array<i64: 25>, scalar_prefetch = 0 : i64, scratch_operands = 0 : i64, tpu.core_type = #tpu.core_type<tc>, window_params = [{transform_indices = @transform_0, window_bounds = array<i64: 400, 128>}, {transform_indices = @transform_1, window_bounds = array<i64: 400, 128>}, {transform_indices = @transform_2, window_bounds = array<i64: 400, 1>}, {pipeline_mode = #tpu.pipeline_mode<synchronous>, transform_indices = @transform_3, window_bounds = array<i64: 128, 512>}, {pipeline_mode = #tpu.pipeline_mode<synchronous>, transform_indices = @transform_4, window_bounds = array<i64: 128, 512>}, {pipeline_mode = #tpu.pipeline_mode<synchronous>, transform_indices = @transform_5, window_bounds = array<i64: 1, 512>}, {pipeline_mode = #tpu.pipeline_mode<synchronous>, transform_indices = @transform_6, window_bounds = array<i64: 512, 128>}, {transform_indices = @transform_7, window_bounds = array<i64: 400, 128>}]} {
    %get3A = arith.constant 0 : index
    %get3A_0 = arith.constant 0 : index
    %get3A_1 = vector.load %arg3[%get3A, %get3A_0] : memref<400x1xf32, #tpu.memory_space<vmem>>, vector<400x1xf32>
    %get3A_2 = arith.constant 0 : index
    %get3A_3 = arith.constant 0 : index
    %get3A_4 = vector.load %arg1[%get3A_2, %get3A_3] : memref<400x128xf32, #tpu.memory_space<vmem>>, vector<400x128xf32>
    %mul3A = vector.broadcast %get3A_1 : vector<400x1xf32> to vector<400x128xf32>
    %mul3A_5 = arith.mulf %get3A_4, %mul3A : vector<400x128xf32>
    %get3A_6 = arith.constant 0 : index
    %get3A_7 = arith.constant 0 : index
    %get3A_8 = vector.load %arg4[%get3A_6, %get3A_7] : memref<128x512xf32, #tpu.memory_space<vmem>>, vector<128x512xf32>
    %dot_general3A = arith.constant dense<0.000000e+00> : vector<400x512xf32>
    %dot_general3A_9 = tpu.matmul %mul3A_5, %get3A_8, %dot_general3A {dimension_numbers = #tpu.dot_dimension_numbers<[1], [0], [0], [1], [0, 0, 1, 1], [], []>, transpose_lhs_hint = false} : vector<400x128xf32>, vector<128x512xf32>, vector<400x512xf32> -> vector<400x512xf32>
    %get3A_10 = arith.constant 0 : index
    %get3A_11 = arith.constant 0 : index
    %get3A_12 = vector.load %arg2[%get3A_10, %get3A_11] : memref<400x128xf32, #tpu.memory_space<vmem>>, vector<400x128xf32>
    %mul3A_13 = vector.broadcast %get3A_1 : vector<400x1xf32> to vector<400x128xf32>
    %mul3A_14 = arith.mulf %get3A_12, %mul3A_13 : vector<400x128xf32>
    %get3A_15 = arith.constant 0 : index
    %get3A_16 = arith.constant 0 : index
    %get3A_17 = vector.load %arg5[%get3A_15, %get3A_16] : memref<128x512xf32, #tpu.memory_space<vmem>>, vector<128x512xf32>
    %dot_general3A_18 = arith.constant dense<0.000000e+00> : vector<400x512xf32>
    %dot_general3A_19 = tpu.matmul %mul3A_14, %get3A_17, %dot_general3A_18 {dimension_numbers = #tpu.dot_dimension_numbers<[1], [0], [0], [1], [0, 0, 1, 1], [], []>, transpose_lhs_hint = false} : vector<400x128xf32>, vector<128x512xf32>, vector<400x512xf32> -> vector<400x512xf32>
    %add3A = arith.addf %dot_general3A_9, %dot_general3A_19 : vector<400x512xf32>
    %get3A_20 = arith.constant 0 : index
    %get3A_21 = arith.constant 0 : index
    %get3A_22 = vector.load %arg6[%get3A_20, %get3A_21] : memref<1x512xf32, #tpu.memory_space<vmem>>, vector<1x512xf32>
    %add3A_23 = vector.broadcast %get3A_22 : vector<1x512xf32> to vector<400x512xf32>
    %add3A_24 = arith.addf %add3A, %add3A_23 : vector<400x512xf32>
    %max3A = arith.constant 0.000000e+00 : f32
    %max3A_25 = vector.broadcast %max3A : f32 to vector<400x512xf32>
    %max3A_26 = arith.maximumf %add3A_24, %max3A_25 : vector<400x512xf32>
    %get3A_27 = arith.constant 0 : index
    %get3A_28 = arith.constant 0 : index
    %get3A_29 = vector.load %arg7[%get3A_27, %get3A_28] : memref<512x128xf32, #tpu.memory_space<vmem>>, vector<512x128xf32>
    %dot_general3A_30 = arith.constant dense<0.000000e+00> : vector<400x128xf32>
    %dot_general3A_31 = tpu.matmul %max3A_26, %get3A_29, %dot_general3A_30 {dimension_numbers = #tpu.dot_dimension_numbers<[1], [0], [0], [1], [0, 0, 1, 1], [], []>, transpose_lhs_hint = false} : vector<400x512xf32>, vector<512x128xf32>, vector<400x128xf32> -> vector<400x128xf32>
    %mul3A_32 = vector.broadcast %get3A_1 : vector<400x1xf32> to vector<400x128xf32>
    %mul3A_33 = arith.mulf %dot_general3A_31, %mul3A_32 : vector<400x128xf32>
    %swap3A = arith.constant 0 : index
    %swap3A_34 = arith.constant 0 : index
    %swap3A_35 = vector.load %arg8[%swap3A, %swap3A_34] : memref<400x128xf32, #tpu.memory_space<vmem>>, vector<400x128xf32>
    tpu.vector_store %arg8[%swap3A, %swap3A_34], %mul3A_33 {strides = array<i32>} : memref<400x128xf32, #tpu.memory_space<vmem>>, vector<400x128xf32>,
    return
  }
  func.func @transform_0(%arg0: i32) -> (i32, i32) {
    %c0_i32 = arith.constant 0 : i32
    %c0_i32_0 = arith.constant 0 : i32
    return %arg0, %c0_i32 : i32, i32
  }
  func.func @transform_1(%arg0: i32) -> (i32, i32) {
    %c0_i32 = arith.constant 0 : i32
    %c0_i32_0 = arith.constant 0 : i32
    return %arg0, %c0_i32 : i32, i32
  }
  func.func @transform_2(%arg0: i32) -> (i32, i32) {
    %c0_i32 = arith.constant 0 : i32
    %c0_i32_0 = arith.constant 0 : i32
    return %arg0, %c0_i32 : i32, i32
  }
  func.func @transform_3(%arg0: i32) -> (i32, i32) {
    %c0_i32 = arith.constant 0 : i32
    %c0_i32_0 = arith.constant 0 : i32
    %c0_i32_1 = arith.constant 0 : i32
    return %c0_i32, %c0_i32_0 : i32, i32
  }
  func.func @transform_4(%arg0: i32) -> (i32, i32) {
    %c0_i32 = arith.constant 0 : i32
    %c0_i32_0 = arith.constant 0 : i32
    %c0_i32_1 = arith.constant 0 : i32
    return %c0_i32, %c0_i32_0 : i32, i32
  }
  func.func @transform_5(%arg0: i32) -> (i32, i32) {
    %c0_i32 = arith.constant 0 : i32
    %c0_i32_0 = arith.constant 0 : i32
    %c0_i32_1 = arith.constant 0 : i32
    return %c0_i32, %c0_i32_0 : i32, i32
  }
  func.func @transform_6(%arg0: i32) -> (i32, i32) {
    %c0_i32 = arith.constant 0 : i32
    %c0_i32_0 = arith.constant 0 : i32
    %c0_i32_1 = arith.constant 0 : i32
    return %c0_i32, %c0_i32_0 : i32, i32
  }
  func.func @transform_7(%arg0: i32) -> (i32, i32) {
    %c0_i32 = arith.constant 0 : i32
    %c0_i32_0 = arith.constant 0 : i32
    return %arg0, %c0_i32 : i32, i32
  }
}

module attributes {stable_mosaic.version = 14 : i64} {
  func.func @_tcE_body(%arg0: i32, %arg1: memref<400x128xf32, #tpu.memory_space<vmem>>, %arg2: memref<400x128xf32, #tpu.memory_space<vmem>>, %arg3: memref<400x1xf32, #tpu.memory_space<vmem>>, %arg4: memref<1x128xf32, #tpu.memory_space<vmem>>, %arg5: memref<400x128xf32, #tpu.memory_space<vmem>>) attributes {dimension_semantics = [#tpu.dimension_semantics<arbitrary>], iteration_bounds = array<i64: 25>, scalar_prefetch = 0 : i64, scratch_operands = 0 : i64, tpu.core_type = #tpu.core_type<tc>, window_params = [{transform_indices = @transform_0, window_bounds = array<i64: 400, 128>}, {transform_indices = @transform_1, window_bounds = array<i64: 400, 128>}, {transform_indices = @transform_2, window_bounds = array<i64: 400, 1>}, {pipeline_mode = #tpu.pipeline_mode<synchronous>, transform_indices = @transform_3, window_bounds = array<i64: 1, 128>}, {transform_indices = @transform_4, window_bounds = array<i64: 400, 128>}]} {
    %get3A = arith.constant 0 : index
    %get3A_0 = arith.constant 0 : index
    %get3A_1 = vector.load %arg1[%get3A, %get3A_0] : memref<400x128xf32, #tpu.memory_space<vmem>>, vector<400x128xf32>
    %get3A_2 = arith.constant 0 : index
    %get3A_3 = arith.constant 0 : index
    %get3A_4 = vector.load %arg2[%get3A_2, %get3A_3] : memref<400x128xf32, #tpu.memory_space<vmem>>, vector<400x128xf32>
    %add3A = arith.addf %get3A_1, %get3A_4 : vector<400x128xf32>
    %get3A_5 = arith.constant 0 : index
    %get3A_6 = arith.constant 0 : index
    %get3A_7 = vector.load %arg3[%get3A_5, %get3A_6] : memref<400x1xf32, #tpu.memory_space<vmem>>, vector<400x1xf32>
    %mul3A = vector.broadcast %get3A_7 : vector<400x1xf32> to vector<400x128xf32>
    %mul3A_8 = arith.mulf %add3A, %mul3A : vector<400x128xf32>
    %get3A_9 = arith.constant 0 : index
    %get3A_10 = arith.constant 0 : index
    %get3A_11 = vector.load %arg4[%get3A_9, %get3A_10] : memref<1x128xf32, #tpu.memory_space<vmem>>, vector<1x128xf32>
    %add3A_12 = vector.broadcast %get3A_11 : vector<1x128xf32> to vector<400x128xf32>
    %add3A_13 = arith.addf %mul3A_8, %add3A_12 : vector<400x128xf32>
    %swap3A = arith.constant 0 : index
    %swap3A_14 = arith.constant 0 : index
    %swap3A_15 = vector.load %arg5[%swap3A, %swap3A_14] : memref<400x128xf32, #tpu.memory_space<vmem>>, vector<400x128xf32>
    tpu.vector_store %arg5[%swap3A, %swap3A_14], %add3A_13 {strides = array<i32>} : memref<400x128xf32, #tpu.memory_space<vmem>>, vector<400x128xf32>,
    return
  }
  func.func @transform_0(%arg0: i32) -> (i32, i32) {
    %c0_i32 = arith.constant 0 : i32
    %c0_i32_0 = arith.constant 0 : i32
    return %arg0, %c0_i32 : i32, i32
  }
  func.func @transform_1(%arg0: i32) -> (i32, i32) {
    %c0_i32 = arith.constant 0 : i32
    %c0_i32_0 = arith.constant 0 : i32
    return %arg0, %c0_i32 : i32, i32
  }
  func.func @transform_2(%arg0: i32) -> (i32, i32) {
    %c0_i32 = arith.constant 0 : i32
    %c0_i32_0 = arith.constant 0 : i32
    return %arg0, %c0_i32 : i32, i32
  }
  func.func @transform_3(%arg0: i32) -> (i32, i32) {
    %c0_i32 = arith.constant 0 : i32
    %c0_i32_0 = arith.constant 0 : i32
    %c0_i32_1 = arith.constant 0 : i32
    return %c0_i32, %c0_i32_0 : i32, i32
  }
  func.func @transform_4(%arg0: i32) -> (i32, i32) {
    %c0_i32 = arith.constant 0 : i32
    %c0_i32_0 = arith.constant 0 : i32
    return %arg0, %c0_i32 : i32, i32
  }
}

</mosaic_0001>

<sc_bundles>
// kernel: kernel.11.cloned.1.call-start
scs
__scs_entry_jumppad:
0x0: {  	(pc) =	sbr.rel $0x88, $3  }
0x1: {  	(tag) =	ssettag $0x0;
	lr =	simm.s32 $0x1  }
0x2: {  	[smem:$0x3F9B] =	sst lr;
	_ =	strace $0xD0000000  }
0x3: {  	_ = 	snop  }
0x4: {  	_ = 	snop  }
0x5: {  	_ = 	snop  }
0x6: {  	_ = 	snop  }
0x7: {  	_ = 	snop  }
__scs_overlays_trampoline_lowered:
0x8: {  	[smem:$0x3FAA] =	sst s0  }
0x9: {  	[smem:$0x3FAB] =	sst s1  }
0xa: {  	[smem:$0x3FAC] =	sst s2  }
0xb: {  	[smem:$0x3FAD] =	sst s3  }
0xc: {  	[smem:$0x3FAE] =	sst s4  }
0xd: {  	[smem:$0x3FAF] =	sst s5  }
0xe: {  	[smem:$0x3FB0] =	sst s6  }
0xf: {  	[smem:$0x3FB1] =	sst s7  }
0x10: {  	[smem:$0x3FB2] =	sst s8  }
0x11: {  	[smem:$0x3FB3] =	sst s9;
	s0 =	simm.s32 @!p0 $0x0  }
0x12: {  	s1 =	sld [smem:$0x3F99];
	s0 =	simm.s32 @p0 $0x1  }
0x13: {  	[smem:$0x3FB4] =	sst s0;
	s0 =	simm.s32 @!p1 $0x0  }
0x14: {  	s2 =	sld [smem:$0x3F98];
	s0 =	simm.s32 @p1 $0x1  }
0x15: {  	[smem:$0x3FB5] =	sst s0;
	s0 =	simm.s32 @!p2 $0x0  }
0x16: {  	s3 =	sld [smem:$0x3FDB];
	s0 =	simm.s32 @p2 $0x1  }
0x17: {  	s4 =	simm.s32 $0x1BF5;
	[smem:$0x3FB7] =	sst s0  }
0x18: {  	s0 =	sld [smem:$0x3F9A];
	_ =	swait.ge [sflag:s4], $0x0  }
0x19: {  	s7 =	sld [smem:$0x3F9B]  }
0x1a: {  	s8 =	sadd.s32 $0xFFFFE003, lr  }
0x1b: {  	s9 =	sadd.s32 $0xFFFFFEF7, lr;
	s5 =	simm.s32 $0xFFFFFFFF;
	p2 =	slt.u32 s8, $0xFFFFF086  }
0x1c: {  	p1 =	slt.u32 s9, $0xF7A;
	s5 =	simm.s32 @!p2 $0x0  }
0x1d: {  	s5 =	simm.s32 @p1 $0x1;
	p0 =	seq.s32 s7, s2  }
0x1e: {  	s7 =	smul.u32 @!p0 $0xF7A, s2;
	p2 =	seq.s32 @!p0 s5, $0x0  }
0x1f: {  	s9 =	smul.u32 $0xF7A, s1;
	s8 =	simm.s32 @!p0 $0x1BF5;
	p2 =	por !p2, p0  }
0x20: {  	[sflag:s8] =	ssyncset.s32 @!p0 $0xFFFFF086;
	s6 =	sadd.s32 @!p0 s3, s7;
	s7 =	simm.s32 @!p0 $0x108  }
0x21: {  	s3 =	sadd.s32 s3, s9;
	s6 =	sadd.s32 @!p0 $0x88, s6;
	s7 =	simm.s32 @p2 $0x1082  }
0x22: {  	[simem:s7], [sflag:s8] =	dma.local @!p0 [hbm:s6], $0xF7A  }
0x23: {  	s9 =	sor.u32 $0xD0000000, s2;
	s6 =	simm.s32 $0x108;
	_ =	swait.ge @!p0 [sflag:s8], $0x0  }
0x24: {  	s3 =	sadd.s32 $0x88, s3;
	s6 =	simm.s32 @!p1 $0x1082;
	[sflag:s4] =	ssyncset.s32 $0xFFFFF086  }
0x25: {  	[simem:s6], [sflag:s4] =	dma.local [hbm:s3], $0xF7A  }
0x26: {  	[smem:$0x3F9B] =	sst s1;
	(tag) =	ssettag s2;
	_ =	strace s9  }
0x27: {  	s1 =	sld [smem:$0x3FAB]  }
0x28: {  	s2 =	sld [smem:$0x3FAC]  }
0x29: {  	s4 =	sld [smem:$0x3FAE]  }
0x2a: {  	p0 =	seq.s32 s5, $0x0;
	s5 =	sld [smem:$0x3FAF]  }
0x2b: {  	s6 =	sld [smem:$0x3FB0]  }
0x2c: {  	s7 =	sld [smem:$0x3FB1]  }
0x2d: {  	s3 =	simm.s32 $0x108;
	s8 =	sld [smem:$0x3FB2]  }
0x2e: {  	s3 =	simm.s32 @!p0 $0x1082;
	s9 =	sld [smem:$0x3FB3]  }
0x2f: {  	lr =	sadd.s32 s0, s3;
	s0 =	sld [smem:$0x3FAA]  }
0x30: {  	s3 =	sld [smem:$0x3FAD]  }
0x31: {  	[smem:$0x3FB6] =	sst s10  }
0x32: {  	s10 =	sld [smem:$0x3FB4];
	_ =	sdelay $0x3  }
0x33: {  	p0 =	seq.s32 s10, $0x1;
	s10 =	sld [smem:$0x3FB6];
	_ =	sdelay $0x3  }
0x34: {  	[smem:$0x3FB6] =	sst s10  }
0x35: {  	s10 =	sld [smem:$0x3FB5];
	_ =	sdelay $0x3  }
0x36: {  	p1 =	seq.s32 s10, $0x1;
	s10 =	sld [smem:$0x3FB6];
	_ =	sdelay $0x3  }
0x37: {  	[smem:$0x3FB6] =	sst s10  }
0x38: {  	s10 =	sld [smem:$0x3FB7]  }
0x39: {  	_ = 	snop;
	(pc) =	sbr.ind lr, $3  }
0x3a: {  	_ = 	snop  }
0x3b: {  	_ = 	snop  }
0x3c: {  	p2 =	seq.s32 s10, $0x1;
	s10 =	sld [smem:$0x3FB6]  }
0x3d: {  	_ =	shalt  }
0x3e: {  	_ =	shalt  }
0x3f: {  	_ =	shalt  }
0x40: {  	_ =	shalt  }
0x41: {  	_ =	shalt  }
0x42: {  	_ =	shalt  }
0x43: {  	_ =	shalt  }
0x44: {  	_ =	shalt  }
0x45: {  	_ =	shalt  }
0x46: {  	_ =	shalt  }
0x47: {  	_ =	shalt  }
0x48: {  	_ =	shalt  }
0x49: {  	_ =	shalt  }
0x4a: {  	_ =	shalt  }
0x4b: {  	_ =	shalt  }
0x4c: {  	_ =	shalt  }
0x4d: {  	_ =	shalt  }
0x4e: {  	_ =	shalt  }
0x4f: {  	_ =	shalt  }
0x50: {  	_ =	shalt  }
0x51: {  	_ =	shalt  }
0x52: {  	_ =	shalt  }
0x53: {  	_ =	shalt  }
0x54: {  	_ =	shalt  }
0x55: {  	_ =	shalt  }
0x56: {  	_ =	shalt  }
0x57: {  	_ =	shalt  }
0x58: {  	_ =	shalt  }
0x59: {  	_ =	shalt  }
0x5a: {  	_ =	shalt  }
0x5b: {  	_ =	shalt  }
0x5c: {  	_ =	shalt  }
0x5d: {  	_ =	shalt  }
0x5e: {  	_ =	shalt  }
0x5f: {  	_ =	shalt  }
0x60: {  	_ =	shalt  }
0x61: {  	_ =	shalt  }
0x62: {  	_ =	shalt  }
0x63: {  	_ =	shalt  }
0x64: {  	_ =	shalt  }
0x65: {  	_ =	shalt  }
0x66: {  	_ =	shalt  }
0x67: {  	_ =	shalt  }
0x68: {  	_ =	shalt  }
0x69: {  	_ =	shalt  }
0x6a: {  	_ =	shalt  }
0x6b: {  	_ =	shalt  }
0x6c: {  	_ =	shalt  }
0x6d: {  	_ =	shalt  }
0x6e: {  	_ =	shalt  }
0x6f: {  	_ =	shalt  }
0x70: {  	_ =	shalt  }
0x71: {  	_ =	shalt  }
0x72: {  	_ =	shalt  }
0x73: {  	_ =	shalt  }
0x74: {  	_ =	shalt  }
0x75: {  	_ =	shalt  }
0x76: {  	_ =	shalt  }
0x77: {  	_ =	shalt  }
0x78: {  	_ =	shalt  }
0x79: {  	_ =	shalt  }
0x7a: {  	_ =	shalt  }
0x7b: {  	_ =	shalt  }
0x7c: {  	_ =	shalt  }
0x7d: {  	_ =	shalt  }
0x7e: {  	_ =	shalt  }
0x7f: {  	_ =	shalt  }
0x80: {  	_ =	shalt  }
0x81: {  	_ =	shalt  }
0x82: {  	_ =	shalt  }
0x83: {  	_ =	shalt  }
0x84: {  	_ =	shalt  }
0x85: {  	_ =	shalt  }
0x86: {  	_ =	shalt  }
0x87: {  	_ =	shalt  }
.Lfunc_end0:
.L_simem_size_0:
called_computation.1_lowered:
.L_overlay_start_0:
0x88: {  	s2 =	sld [smem:$0x3FD9]  }
0x89: {  	s3 =	sld [smem:$0x3FFE];
	_ =	sdelay $0x1  }
0x8a: {  	s1 =	srdreg.scid  }
0x8b: {  	s0 =	sand.u32 $0x1, s1  }
0x8c: {  	s17 =	sshll.u32 s0, $0xA;
	s2 =	sadd.s32 s3, s2  }
0x8d: {  	s2 =	sadd.s32 s2, s17  }
0x8e: {  	[smem:$0x3FC2] =	sst s2  }
0x8f: {  	_ = 	snop  }
0x90: {  	s2 =	sld [smem:$0x3FD0];
	(tm) =	ssettm $0x1  }
0x91: {  	s18 =	sld [smem:$0x3FFB];
	_ =	sdelay $0x3  }
0x92: {  	_ =	strace s18  }
0x93: {  	s3 =	sld [smem:$0x3FFC];
	_ =	sdelay $0x3  }
0x94: {  	_ =	strace s3  }
0x95: {  	s3 =	sld [smem:$0x3FFD];
	_ =	sdelay $0x3  }
0x96: {  	_ =	strace s3  }
0x97: {  	_ =	strace $0x8FFFFFFF  }
0x98: {  	s19 =	sld [smem:$0x3FDB];
	_ =	sdelay $0x1  }
0x99: {  	s4 =	simm.s32 $_scs_section_size  }
0x9a: {  	s5 =	simm.s32 $_size__tile_overlayer_lowered;
	s6 =	simm.s32 $_tile_overlayer_lowered  }
0x9b: {  	s22 =	simm.s32 $0x1BFF;
	s21 =	sshll.u32 s6, $0x1;
	s3 =	sadd.s32 s4, s19  }
0x9c: {  	s7 =	simm.s32 $0x0;
	s20 =	sshll.u32 s5, $0x1;
	s5 =	sadd.s32 s21, s3  }
0x9d: {  	[timem:s7], [sflag:s22] =	dma.local [hbm:s5], s20  }
0x9e: {  	_ =	swait.ge [sflag:s22], s20  }
0x9f: {  	s4 =	ssub.s32 $0x0, s20;
	[sflag:s22] =	ssyncset.done $0x0  }
0xa0: {  	[sflag:s22] =	ssyncadd.s32 s4;
	_ =	sdelay $0x1  }
0xa1: {  	s23 =	simm.s32 $0x1B8B  }
0xa2: {  	_ =	swait.ge [sflag:s23], $0x1  }
0xa3: {  	[sflag:s23] =	ssyncset.done $0x0  }
0xa4: {  	s25 =	simm.s32 $0x1B8E;
	s24 =	sld [smem:$0x3FFE];
	[sflag:s23] =	ssyncadd.s32 $0xFFFFFFFF  }
0xa5: {  	s26 =	simm.s32 $execute0_lowered;
	[smem:$0x3FD2] =	sst s25  }
0xa6: {  	s5 =	sshll.u32 s26, $0x1;
	_ =	strace $0x80000049;
	[dreg:$0x1] =	wrdreg $0xFFFFFFFF  }
0xa7: {  	s28 =	simm.s32 $_size_execute0_lowered;
	s3 =	sadd.s32 s3, s5;
	[dreg:$0x0] =	wrdreg $0x0  }
0xa8: {  	s5 =	sshll.u32 s28, $0x1;
	[dreg:$0x2] =	wrdreg s3  }
0xa9: {  	[dreg:$0x3] =	wrdreg s5  }
0xaa: {  	[dreg:$0x4] =	wrdreg $0xC0  }
0xab: {  	_ =	task [dreg:s7], $0x5FFFF  }
0xac: {  	[dreg:$0x1] =	wrdreg $0xFFFFFFFF  }
0xad: {  	[dreg:$0x0] =	wrdreg $0x60  }
0xae: {  	[dreg:$0x2] =	wrdreg s24  }
0xaf: {  	[dreg:$0x3] =	wrdreg s2  }
0xb0: {  	[dreg:$0x4] =	wrdreg $0xA8000  }
0xb1: {  	[dreg:$0x5] =	wrdreg $0x9  }
0xb2: {  	_ =	task.clear_ibuf [dreg:s7], $0x6FFFF;
	_ =	strace $0x90000049  }
0xb3: {  	s29 =	simm.s32 $0x9;
	_ =	strace $0x8000004B  }
0xb4: {  	_ =	swait.ge [sflag:s29], $0x1  }
0xb5: {  	[sflag:s29] =	ssyncadd.s32 $0xFFFFFFFF  }
0xb6: {  	_ =	strace $0x9000004B  }
0xb7: {  	_ =	sfence  }
0xb8: {  	s30 =	sld [smem:$0x0];
	_ =	sdelay $0x2  }
0xb9: {  	s31 =	sshll.u32 s1, $0xD;
	s1 =	sshrl.u32 s1, $0x2  }
0xba: {  	s3 =	sand.u32 $0x4000, s31;
	s1 =	sadd.s32 s1, s30  }
0xbb: {  	s0 =	sor.u32 s3, s0;
	s1 =	sshll.u32 s1, $0x11  }
0xbc: {  	s0 =	sor.u32 s1, s0  }
0xbd: {  	s0 =	sadd.s32 $0x8F2B, s0  }
0xbe: {  	[sflag:s0] =	ssyncadd.remote.s32 $0x1  }
0xbf: {  	_ =	sfence.sel $0xFFFF  }
0xc0: {  	[dreg:$0x0] =	wrdreg $0xFFFFFFFF;
	(pc) =	sbr.abs _section_cstart, $3  }
0xc1: {  	[dreg:$0x1] =	wrdreg $0xFFFFFFFF  }
0xc2: {  	_ =	task.clear_ibuf [dreg:s7], $0x2FFFF;
	_ =	strace $0x9FFFFFFF  }
0xc3: {  	(tm) =	ssettm $0x7FFFFFFF  }
tec
execute0_lowered:
.L_overlay_start_1:
0x0: {  	(tag) =	ssettag $0x1  }
0x1: {  	s5 =	rddreg [dreg:$0x0]  }
0x2: {  	s7 =	rddreg [dreg:$0x1];
	s0 =	srdreg.scid  }
0x3: {  	s2 =	rddreg [dreg:$0x2];
	s1 =	stileid.u32;
	s3 =	simm.s32 $0x0  }
0x4: {  	s16 =	simm.s32 $0x80;
	s17 =	simm.s32 $0x2800;
	s9 =	smul.u32 $0x14000, s1  }
0x5: {  	s18 =	simm.s32 $0x6800;
	s19 =	simm.s32 $0x1;
	s10 =	smul.u32 $0x50000, s1  }
0x6: {  	s20 =	simm.s32 $0x2;
	s21 =	simm.s32 $0x1380;
	s22 =	smul.u32 $0x2800, s1  }
0x7: {  	s6 =	sand.u32 $0x1, s0;
	s0 =	rddreg [dreg:$0x3];
	s24 =	smul.u32 $0x50, s1  }
0x8: {  	[smem:$0x7FF] =	sst s3;
	s4 =	sadd.s32 $0x33800, s5;
	s30 =	smul.u32 $0x500, s1  }
0x9: {  	s12 =	sadd.s32 $0x6800, s5;
	s28 =	sshll.u32 s1, $0x6;
	s8 =	smul.u32 $0x140000, s6  }
0xa: {  	_ =	strace $0x8000004A;
	s11 =	smul.u32 $0x28000, s6;
	s13 =	ssub.s32 $0x2, s6  }
0xb: {  	s6 =	smul.u32 $0x500, s6;
	s23 =	sshrl.u32 s13, $0x1;
	s25 =	sshrl.u32 s10, $0x2  }
0xc: {  	s31 =	sshrl.u32 s22, $0x3;
	s8 =	sadd.s32 s9, s8;
	s13 =	ssub.s32 s13, s23  }
0xd: {  	s26 =	sadd.s32 s22, s11;
	s15 =	sadd.s32 s25, s2;
	s6 =	sadd.s32 s24, s6  }
0xe: {  	s10 =	sadd.s32 s12, s31;
	s22 =	simm.s32 $0x2700;
	s23 =	simm.s32 $0x2780  }
0xf: {  	s24 =	simm.s32 $0x0;
	s8 =	sshrl.u32 s8, $0x3;
	s29 =	sshll.u32 s6, $0x4  }
0x10: {  	s6 =	sor.u32 $0x1C03, s28;
	s10 =	sadd.s32 $0x280, s10;
	s14 =	sadd.s32 s8, s5  }
0x11: {  	s5 =	sadd.s32 s4, s26;
	s7 =	sadd.s32 s7, s29;
	s8 =	sadd.s32 s12, s30  }
0x12: {  	s12 =	smax.u32 s13, $0x1;
	s13 =	sshrl.u32 s15, $0x3;
	s15 =	simm.s32 $0x1400  }
0x13: {  	s9 =	sadd.s32 $0x280, s7;
	s11 =	sadd.s32 $0x83800, s14;
	s14 =	simm.s32 $0x3  }
.LBB2_1:
0x14: {  	[spmem:s13], [sflag:s6] =	dma.local [hbm:s5], $0x2800  }
0x15: {  	_ =	swait.ge [sflag:s14], $0x2800  }
0x16: {  	[sflag:s14] =	ssyncset.done $0x0  }
0x17: {  	[sflag:s14] =	ssyncadd.s32 $0xFFFFD800  }
0x18: {  	[bflag:$0x0] =	sbarrier.arrive $0xFFFF  }
0x19: {  	[tilespmem:s3], [sflag:$0x3] =	stream.linear.gather [hbm4b:s7+s3], $0x1400, $0x38;
	[tilespmem:$0x1E800] =	vst v63  }
0x1a: {  	_ =	swait.ge [sflag:s14], $0x1400  }
0x1b: {  	[sflag:s14] =	ssyncset.done $0x0  }
0x1c: {  	[sflag:s14] =	ssyncadd.s32 $0xFFFFEC00  }
0x1d: {  	[tilespmem:s15], [sflag:$0x3] =	stream.linear.gather [hbm4b:s8+s3], $0x1400, $0x38;
	[tilespmem:$0x1E800] =	vst v63  }
0x1e: {  	_ =	swait.ge [sflag:s14], $0x1400  }
0x1f: {  	[sflag:s14] =	ssyncset.done $0x0  }
0x20: {  	[sflag:s14] =	ssyncadd.s32 $0xFFFFEC00  }
0x21: {  	[tilespmem:s17], [sflag:$0x1] =	stream.indirect.gather [hbm4b:s4+s16], $0x80, s3, s16, $0xb8;
	[tilespmem:$0x1E800] =	vst v63  }
0x22: {  	s25 =	simm.s32 $0x80  }
0x23: {  	[tilespmem:s18], [sflag:$0x2] =	stream.indirect.gather [hbm4b:s4+s16], $0x80, s25, s16, $0xb8;
	[tilespmem:$0x1E800] =	vst v63  }
0x24: {  	_ =	swait.ge [sflag:s19], $0x4000  }
0x25: {  	[sflag:s19] =	ssyncset.done $0x0  }
0x26: {  	s29 =	simm.s32 $0x1400;
	[sflag:s19] =	ssyncadd.s32 $0xFFFFC000  }
0x27: {  	[spmem:s2] =	stream.indirect.scatter.add.f32 [tilespmem:s17], [sflag:$0x3], $0x80, s29, s16, $0xb8;
	[tilespmem:$0x1E800] =	vst v63  }
0x28: {  	_ =	swait.ge [sflag:s14], $0x4000  }
0x29: {  	[sflag:s14] =	ssyncset.done $0x0  }
0x2a: {  	s30 =	simm.s32 $0x100;
	[sflag:s14] =	ssyncadd.s32 $0xFFFFC000  }
0x2b: {  	[tilespmem:s17], [sflag:$0x1] =	stream.indirect.gather [hbm4b:s4+s16], $0x80, s30, s16, $0xb8;
	[tilespmem:$0x1E800] =	vst v63  }
0x2c: {  	_ =	swait.ge [sflag:s20], $0x4000  }
0x2d: {  	[sflag:s20] =	ssyncset.done $0x0  }
0x2e: {  	s31 =	simm.s32 $0x1480;
	[sflag:s20] =	ssyncadd.s32 $0xFFFFC000  }
0x2f: {  	[spmem:s2] =	stream.indirect.scatter.add.f32 [tilespmem:s18], [sflag:$0x3], $0x80, s31, s16, $0xb8;
	[tilespmem:$0x1E800] =	vst v63  }
0x30: {  	_ =	swait.ge [sflag:s14], $0x4000  }
0x31: {  	s26 =	simm.s32 $0x800;
	s25 =	simm.s32 $0x100;
	[sflag:s14] =	ssyncset.done $0x0  }
.LBB2_2:
0x32: {  	s28 =	sadd.s32 $0x80, s25  }
0x33: {  	[sflag:s14] =	ssyncadd.s32 $0xFFFFC000;
	s29 =	smov.u32 s26;
	s30 =	sadd.s32 $0x400, s26  }
0x34: {  	[tilespmem:s18], [sflag:$0x2] =	stream.indirect.gather [hbm4b:s4+s16], $0x80, s28, s16, $0xb8;
	[tilespmem:$0x1E800] =	vst v63  }
0x35: {  	p0 =	sne.s32 s26, $0x4800;
	_ =	swait.ge [sflag:s19], $0x4000  }
0x36: {  	[sflag:s19] =	ssyncset.done $0x0  }
0x37: {  	s26 =	sadd.s32 $0x1400, s25;
	[sflag:s19] =	ssyncadd.s32 $0xFFFFC000  }
0x38: {  	[spmem:s2] =	stream.indirect.scatter.add.f32 [tilespmem:s17], [sflag:$0x3], $0x80, s26, s16, $0xb8;
	[tilespmem:$0x1E800] =	vst v63  }
0x39: {  	_ =	swait.ge [sflag:s14], $0x4000  }
0x3a: {  	[sflag:s14] =	ssyncset.done $0x0  }
0x3b: {  	s26 =	sadd.s32 $0x100, s25;
	[sflag:s14] =	ssyncadd.s32 $0xFFFFC000  }
0x3c: {  	[tilespmem:s17], [sflag:$0x1] =	stream.indirect.gather [hbm4b:s4+s16], $0x80, s26, s16, $0xb8;
	[tilespmem:$0x1E800] =	vst v63  }
0x3d: {  	_ =	swait.ge [sflag:s20], $0x4000  }
.Ltmp0:
0x3e: {  	[sflag:s20] =	ssyncset.done $0x0;
	(pc) =	sbr.rel @p0 .LBB2_2-.Ltmp0, $4  }
0x3f: {  	s25 =	sadd.s32 $0x1480, s25;
	[sflag:s20] =	ssyncadd.s32 $0xFFFFC000  }
0x40: {  	[spmem:s2] =	stream.indirect.scatter.add.f32 [tilespmem:s18], [sflag:$0x3], $0x80, s25, s16, $0xb8;
	[tilespmem:$0x1E800] =	vst v63  }
0x41: {  	_ =	swait.ge [sflag:s14], $0x4000  }
0x42: {  	s26 =	smov.u32 s30;
	s25 =	sshra.s32 s29, $0x2;
	[sflag:s14] =	ssyncset.done $0x0  }
0x43: {  	s26 =	sadd.s32 $0x80, s25;
	[sflag:s14] =	ssyncadd.s32 $0xFFFFC000  }
0x44: {  	[tilespmem:s18], [sflag:$0x2] =	stream.indirect.gather [hbm4b:s4+s16], $0x80, s26, s16, $0xb8;
	[tilespmem:$0x1E800] =	vst v63  }
0x45: {  	_ =	swait.ge [sflag:s19], $0x4000  }
0x46: {  	[sflag:s19] =	ssyncset.done $0x0  }
0x47: {  	s29 =	sadd.s32 $0x1400, s25;
	[sflag:s19] =	ssyncadd.s32 $0xFFFFC000  }
0x48: {  	[spmem:s2] =	stream.indirect.scatter.add.f32 [tilespmem:s17], [sflag:$0x3], $0x80, s29, s16, $0xb8;
	[tilespmem:$0x1E800] =	vst v63  }
0x49: {  	_ =	swait.ge [sflag:s14], $0x4000  }
0x4a: {  	[sflag:s14] =	ssyncset.done $0x0  }
0x4b: {  	s30 =	sadd.s32 $0x100, s25;
	[sflag:s14] =	ssyncadd.s32 $0xFFFFC000  }
0x4c: {  	[tilespmem:s17], [sflag:$0x1] =	stream.indirect.gather [hbm4b:s4+s16], $0x80, s30, s16, $0xb8;
	[tilespmem:$0x1E800] =	vst v63  }
0x4d: {  	_ =	swait.ge [sflag:s20], $0x4000  }
0x4e: {  	[sflag:s20] =	ssyncset.done $0x0  }
0x4f: {  	s31 =	sadd.s32 $0x1480, s25;
	[sflag:s20] =	ssyncadd.s32 $0xFFFFC000  }
0x50: {  	[spmem:s2] =	stream.indirect.scatter.add.f32 [tilespmem:s18], [sflag:$0x3], $0x80, s31, s16, $0xb8;
	[tilespmem:$0x1E800] =	vst v63  }
0x51: {  	_ =	swait.ge [sflag:s14], $0x4000  }
0x52: {  	[sflag:s14] =	ssyncset.done $0x0  }
0x53: {  	[sflag:s14] =	ssyncadd.s32 $0xFFFFC000  }
0x54: {  	[tilespmem:s18], [sflag:$0x2] =	stream.indirect.gather [hbm4b:s4+s16], $0x80, s21, s16, $0xb8;
	[tilespmem:$0x1E800] =	vst v63  }
0x55: {  	_ =	swait.ge [sflag:s19], $0x4000  }
0x56: {  	[sflag:s19] =	ssyncset.done $0x0  }
0x57: {  	[sflag:s19] =	ssyncadd.s32 $0xFFFFC000  }
0x58: {  	[spmem:s2] =	stream.indirect.scatter.add.f32 [tilespmem:s17], [sflag:$0x3], $0x80, s22, s16, $0xb8;
	[tilespmem:$0x1E800] =	vst v63  }
0x59: {  	_ =	swait.ge [sflag:s14], $0x4000  }
0x5a: {  	[sflag:s14] =	ssyncset.done $0x0  }
0x5b: {  	[sflag:s14] =	ssyncadd.s32 $0xFFFFC000  }
0x5c: {  	_ =	swait.ge [sflag:s20], $0x4000  }
0x5d: {  	[sflag:s20] =	ssyncset.done $0x0  }
0x5e: {  	[sflag:s20] =	ssyncadd.s32 $0xFFFFC000  }
0x5f: {  	[spmem:s2] =	stream.indirect.scatter.add.f32 [tilespmem:s18], [sflag:$0x3], $0x80, s23, s16, $0xb8;
	[tilespmem:$0x1E800] =	vst v63  }
0x60: {  	_ =	swait.ge [sflag:s14], $0x4000  }
0x61: {  	[sflag:s14] =	ssyncset.done $0x0  }
0x62: {  	s26 =	simm.s32 $0x0;
	[sflag:s14] =	ssyncadd.s32 $0xFFFFC000  }
0x63: {  	[tilespmem:s26], [sflag:$0x3] =	stream.linear.gather [hbm4b:s9+s26], $0x1400, $0x38;
	[tilespmem:$0x1E800] =	vst v63  }
0x64: {  	_ =	swait.ge [sflag:s14], $0x1400  }
0x65: {  	[sflag:s14] =	ssyncset.done $0x0  }
0x66: {  	[sflag:s14] =	ssyncadd.s32 $0xFFFFEC00  }
0x67: {  	[tilespmem:s15], [sflag:$0x3] =	stream.linear.gather [hbm4b:s10+s26], $0x1400, $0x38;
	[tilespmem:$0x1E800] =	vst v63  }
0x68: {  	_ =	swait.ge [sflag:s14], $0x1400  }
0x69: {  	[sflag:s14] =	ssyncset.done $0x0  }
0x6a: {  	[sflag:s14] =	ssyncadd.s32 $0xFFFFEC00  }
0x6b: {  	[tilespmem:s17], [sflag:$0x1] =	stream.indirect.gather [hbm4b:s4+s16], $0x80, s26, s16, $0xb8;
	[tilespmem:$0x1E800] =	vst v63  }
0x6c: {  	s28 =	simm.s32 $0x80  }
0x6d: {  	[tilespmem:s18], [sflag:$0x2] =	stream.indirect.gather [hbm4b:s4+s16], $0x80, s28, s16, $0xb8;
	[tilespmem:$0x1E800] =	vst v63  }
0x6e: {  	_ =	swait.ge [sflag:s19], $0x4000  }
0x6f: {  	[sflag:s19] =	ssyncset.done $0x0  }
0x70: {  	s29 =	simm.s32 $0x1400;
	[sflag:s19] =	ssyncadd.s32 $0xFFFFC000  }
0x71: {  	[spmem:s2] =	stream.indirect.scatter.add.f32 [tilespmem:s17], [sflag:$0x3], $0x80, s29, s16, $0xb8;
	[tilespmem:$0x1E800] =	vst v63  }
0x72: {  	_ =	swait.ge [sflag:s14], $0x4000  }
0x73: {  	[sflag:s14] =	ssyncset.done $0x0  }
0x74: {  	s30 =	simm.s32 $0x100;
	[sflag:s14] =	ssyncadd.s32 $0xFFFFC000  }
0x75: {  	[tilespmem:s17], [sflag:$0x1] =	stream.indirect.gather [hbm4b:s4+s16], $0x80, s30, s16, $0xb8;
	[tilespmem:$0x1E800] =	vst v63  }
0x76: {  	_ =	swait.ge [sflag:s20], $0x4000  }
0x77: {  	[sflag:s20] =	ssyncset.done $0x0  }
0x78: {  	s31 =	simm.s32 $0x1480;
	[sflag:s20] =	ssyncadd.s32 $0xFFFFC000  }
0x79: {  	[spmem:s2] =	stream.indirect.scatter.add.f32 [tilespmem:s18], [sflag:$0x3], $0x80, s31, s16, $0xb8;
	[tilespmem:$0x1E800] =	vst v63  }
0x7a: {  	_ =	swait.ge [sflag:s14], $0x4000  }
0x7b: {  	s25 =	simm.s32 $0x100;
	s26 =	simm.s32 $0x800;
	[sflag:s14] =	ssyncset.done $0x0  }
.LBB2_4:
0x7c: {  	s28 =	sadd.s32 $0x80, s25  }
0x7d: {  	[sflag:s14] =	ssyncadd.s32 $0xFFFFC000;
	s29 =	smov.u32 s26;
	s30 =	sadd.s32 $0x400, s26  }
0x7e: {  	[tilespmem:s18], [sflag:$0x2] =	stream.indirect.gather [hbm4b:s4+s16], $0x80, s28, s16, $0xb8;
	[tilespmem:$0x1E800] =	vst v63  }
0x7f: {  	p0 =	sne.s32 s26, $0x4800;
	_ =	swait.ge [sflag:s19], $0x4000  }
0x80: {  	[sflag:s19] =	ssyncset.done $0x0  }
0x81: {  	s26 =	sadd.s32 $0x1400, s25;
	[sflag:s19] =	ssyncadd.s32 $0xFFFFC000  }
0x82: {  	[spmem:s2] =	stream.indirect.scatter.add.f32 [tilespmem:s17], [sflag:$0x3], $0x80, s26, s16, $0xb8;
	[tilespmem:$0x1E800] =	vst v63  }
0x83: {  	_ =	swait.ge [sflag:s14], $0x4000  }
0x84: {  	[sflag:s14] =	ssyncset.done $0x0  }
0x85: {  	s26 =	sadd.s32 $0x100, s25;
	[sflag:s14] =	ssyncadd.s32 $0xFFFFC000  }
0x86: {  	[tilespmem:s17], [sflag:$0x1] =	stream.indirect.gather [hbm4b:s4+s16], $0x80, s26, s16, $0xb8;
	[tilespmem:$0x1E800] =	vst v63  }
0x87: {  	_ =	swait.ge [sflag:s20], $0x4000  }
.Ltmp1:
0x88: {  	[sflag:s20] =	ssyncset.done $0x0;
	(pc) =	sbr.rel @p0 .LBB2_4-.Ltmp1, $4  }
0x89: {  	s25 =	sadd.s32 $0x1480, s25;
	[sflag:s20] =	ssyncadd.s32 $0xFFFFC000  }
0x8a: {  	[spmem:s2] =	stream.indirect.scatter.add.f32 [tilespmem:s18], [sflag:$0x3], $0x80, s25, s16, $0xb8;
	[tilespmem:$0x1E800] =	vst v63  }
0x8b: {  	_ =	swait.ge [sflag:s14], $0x4000  }
0x8c: {  	s26 =	smov.u32 s30;
	s25 =	sshra.s32 s29, $0x2;
	[sflag:s14] =	ssyncset.done $0x0  }
0x8d: {  	s26 =	sadd.s32 $0x80, s25;
	[sflag:s14] =	ssyncadd.s32 $0xFFFFC000  }
0x8e: {  	[tilespmem:s18], [sflag:$0x2] =	stream.indirect.gather [hbm4b:s4+s16], $0x80, s26, s16, $0xb8;
	[tilespmem:$0x1E800] =	vst v63  }
0x8f: {  	_ =	swait.ge [sflag:s19], $0x4000  }
0x90: {  	[sflag:s19] =	ssyncset.done $0x0  }
0x91: {  	s29 =	sadd.s32 $0x1400, s25;
	[sflag:s19] =	ssyncadd.s32 $0xFFFFC000  }
0x92: {  	[spmem:s2] =	stream.indirect.scatter.add.f32 [tilespmem:s17], [sflag:$0x3], $0x80, s29, s16, $0xb8;
	[tilespmem:$0x1E800] =	vst v63  }
0x93: {  	_ =	swait.ge [sflag:s14], $0x4000  }
0x94: {  	[sflag:s14] =	ssyncset.done $0x0  }
0x95: {  	s30 =	sadd.s32 $0x100, s25;
	[sflag:s14] =	ssyncadd.s32 $0xFFFFC000  }
0x96: {  	[tilespmem:s17], [sflag:$0x1] =	stream.indirect.gather [hbm4b:s4+s16], $0x80, s30, s16, $0xb8;
	[tilespmem:$0x1E800] =	vst v63  }
0x97: {  	_ =	swait.ge [sflag:s20], $0x4000  }
0x98: {  	[sflag:s20] =	ssyncset.done $0x0  }
0x99: {  	s31 =	sadd.s32 $0x1480, s25;
	[sflag:s20] =	ssyncadd.s32 $0xFFFFC000  }
0x9a: {  	[spmem:s2] =	stream.indirect.scatter.add.f32 [tilespmem:s18], [sflag:$0x3], $0x80, s31, s16, $0xb8;
	[tilespmem:$0x1E800] =	vst v63  }
0x9b: {  	_ =	swait.ge [sflag:s14], $0x4000  }
0x9c: {  	[sflag:s14] =	ssyncset.done $0x0  }
0x9d: {  	[sflag:s14] =	ssyncadd.s32 $0xFFFFC000  }
0x9e: {  	[tilespmem:s18], [sflag:$0x2] =	stream.indirect.gather [hbm4b:s4+s16], $0x80, s21, s16, $0xb8;
	[tilespmem:$0x1E800] =	vst v63  }
0x9f: {  	_ =	swait.ge [sflag:s19], $0x4000  }
0xa0: {  	[sflag:s19] =	ssyncset.done $0x0  }
0xa1: {  	[sflag:s19] =	ssyncadd.s32 $0xFFFFC000  }
0xa2: {  	[spmem:s2] =	stream.indirect.scatter.add.f32 [tilespmem:s17], [sflag:$0x3], $0x80, s22, s16, $0xb8;
	[tilespmem:$0x1E800] =	vst v63  }
0xa3: {  	_ =	swait.ge [sflag:s14], $0x4000  }
0xa4: {  	[sflag:s14] =	ssyncset.done $0x0  }
0xa5: {  	[sflag:s14] =	ssyncadd.s32 $0xFFFFC000  }
0xa6: {  	_ =	swait.ge [sflag:s20], $0x4000  }
0xa7: {  	[sflag:s20] =	ssyncset.done $0x0  }
0xa8: {  	[sflag:s20] =	ssyncadd.s32 $0xFFFFC000  }
0xa9: {  	[spmem:s2] =	stream.indirect.scatter.add.f32 [tilespmem:s18], [sflag:$0x3], $0x80, s23, s16, $0xb8;
	[tilespmem:$0x1E800] =	vst v63  }
0xaa: {  	_ =	swait.ge [sflag:s14], $0x4000  }
0xab: {  	s24 =	sadd.s32 $0x1, s24;
	[sflag:s14] =	ssyncset.done $0x0  }
0xac: {  	p0 =	sne.s32 s24, s12;
	[sflag:s14] =	ssyncadd.s32 $0xFFFFC000  }
.Ltmp2:
0xad: {  	[bflag:$0x0] =	sbarrier.arrive $0xFFFF;
	(pc) =	sbr.rel @p0 .LBB2_1-.Ltmp2, $4  }
0xae: {  	[hbm:s11], [sflag:s6] =	dma.local [spmem:s13], $0x2800  }
0xaf: {  	_ =	swait.ge [sflag:s14], $0x2800  }
0xb0: {  	[sflag:s14] =	ssyncset.done $0x0  }
0xb1: {  	[sflag:s14] =	ssyncadd.s32 $0xFFFFD800  }
0xb2: {  	_ =	sfence.sel $0x180000  }
0xb3: {  	[bflag:$0x0] =	sbarrier.arrive $0xFFFF  }
0xb4: {  	p0 =	sne.s32 s1, $0x0;
	_ =	strace $0x9000004A  }
0xb5: {  	s0 =	sadd.s32 @!p0 $0x100000, s0;
	[bflag:$0x2] =	sbarrier.arrive $0xFFFF  }
0xb6: {  	[sflag:s0] =	ssyncadd.tile.s32 @!p0 $0x1;
	_ =	shalt  }
.Lfunc_end2:
_tile_overlayer_lowered:
.L_overlay_start_2:
0xb7: {  	(tag) =	ssettag $0x2  }
0xb8: {  	s0 =	rddreg [dreg:$0x0];
	s2 =	stileid.u32  }
0xb9: {  	s1 =	rddreg [dreg:$0x1];
	p0 =	sne.s32 s2, $0x0  }
0xba: {  	s3 =	rddreg [dreg:$0x2];
	[bflag:$0x3] =	sbarrier.arrive $0xFFFF;
	s2 =	simm.s32 @!p0 $0x1C03  }
0xbb: {  	[timem:s3], [sflag:s2] =	dma.local @!p0 [hbm:s0], s1  }
0xbc: {  	s0 =	simm.s32 @!p0 $0x3  }
0xbd: {  	_ =	swait.ge @!p0 [sflag:s0], s1  }
0xbe: {  	s1 =	ssub.s32 @!p0 $0x0, s1;
	[sflag:s0] =	ssyncset.done @!p0 $0x0  }
0xbf: {  	[sflag:s0] =	ssyncadd.s32 @!p0 s1  }
0xc0: {  	[bflag:$0x3] =	sbarrier.arrive $0xFFFF  }
0xc1: {  	_ =	shalt  }

// kernel: kernel.14.cloned.1.call-start
scs
__scs_entry_jumppad:
0x0: {  	(pc) =	sbr.rel $0x88, $3  }
0x1: {  	(tag) =	ssettag $0x0;
	lr =	simm.s32 $0x1  }
0x2: {  	[smem:$0x3F9B] =	sst lr;
	_ =	strace $0xD0000000  }
0x3: {  	_ = 	snop  }
0x4: {  	_ = 	snop  }
0x5: {  	_ = 	snop  }
0x6: {  	_ = 	snop  }
0x7: {  	_ = 	snop  }
__scs_overlays_trampoline_lowered:
0x8: {  	[smem:$0x3FAA] =	sst s0  }
0x9: {  	[smem:$0x3FAB] =	sst s1  }
0xa: {  	[smem:$0x3FAC] =	sst s2  }
0xb: {  	[smem:$0x3FAD] =	sst s3  }
0xc: {  	[smem:$0x3FAE] =	sst s4  }
0xd: {  	[smem:$0x3FAF] =	sst s5  }
0xe: {  	[smem:$0x3FB0] =	sst s6  }
0xf: {  	[smem:$0x3FB1] =	sst s7  }
0x10: {  	[smem:$0x3FB2] =	sst s8  }
0x11: {  	[smem:$0x3FB3] =	sst s9;
	s0 =	simm.s32 @!p0 $0x0  }
0x12: {  	s1 =	sld [smem:$0x3F99];
	s0 =	simm.s32 @p0 $0x1  }
0x13: {  	[smem:$0x3FB4] =	sst s0;
	s0 =	simm.s32 @!p1 $0x0  }
0x14: {  	s2 =	sld [smem:$0x3F98];
	s0 =	simm.s32 @p1 $0x1  }
0x15: {  	[smem:$0x3FB5] =	sst s0;
	s0 =	simm.s32 @!p2 $0x0  }
0x16: {  	s3 =	sld [smem:$0x3FDB];
	s0 =	simm.s32 @p2 $0x1  }
0x17: {  	s4 =	simm.s32 $0x1BF5;
	[smem:$0x3FB7] =	sst s0  }
0x18: {  	s0 =	sld [smem:$0x3F9A];
	_ =	swait.ge [sflag:s4], $0x0  }
0x19: {  	s7 =	sld [smem:$0x3F9B]  }
0x1a: {  	s8 =	sadd.s32 $0xFFFFE003, lr  }
0x1b: {  	s9 =	sadd.s32 $0xFFFFFEF7, lr;
	s5 =	simm.s32 $0xFFFFFFFF;
	p2 =	slt.u32 s8, $0xFFFFF086  }
0x1c: {  	p1 =	slt.u32 s9, $0xF7A;
	s5 =	simm.s32 @!p2 $0x0  }
0x1d: {  	s5 =	simm.s32 @p1 $0x1;
	p0 =	seq.s32 s7, s2  }
0x1e: {  	s7 =	smul.u32 @!p0 $0xF7A, s2;
	p2 =	seq.s32 @!p0 s5, $0x0  }
0x1f: {  	s9 =	smul.u32 $0xF7A, s1;
	s8 =	simm.s32 @!p0 $0x1BF5;
	p2 =	por !p2, p0  }
0x20: {  	[sflag:s8] =	ssyncset.s32 @!p0 $0xFFFFF086;
	s6 =	sadd.s32 @!p0 s3, s7;
	s7 =	simm.s32 @!p0 $0x108  }
0x21: {  	s3 =	sadd.s32 s3, s9;
	s6 =	sadd.s32 @!p0 $0x88, s6;
	s7 =	simm.s32 @p2 $0x1082  }
0x22: {  	[simem:s7], [sflag:s8] =	dma.local @!p0 [hbm:s6], $0xF7A  }
0x23: {  	s9 =	sor.u32 $0xD0000000, s2;
	s6 =	simm.s32 $0x108;
	_ =	swait.ge @!p0 [sflag:s8], $0x0  }
0x24: {  	s3 =	sadd.s32 $0x88, s3;
	s6 =	simm.s32 @!p1 $0x1082;
	[sflag:s4] =	ssyncset.s32 $0xFFFFF086  }
0x25: {  	[simem:s6], [sflag:s4] =	dma.local [hbm:s3], $0xF7A  }
0x26: {  	[smem:$0x3F9B] =	sst s1;
	(tag) =	ssettag s2;
	_ =	strace s9  }
0x27: {  	s1 =	sld [smem:$0x3FAB]  }
0x28: {  	s2 =	sld [smem:$0x3FAC]  }
0x29: {  	s4 =	sld [smem:$0x3FAE]  }
0x2a: {  	p0 =	seq.s32 s5, $0x0;
	s5 =	sld [smem:$0x3FAF]  }
0x2b: {  	s6 =	sld [smem:$0x3FB0]  }
0x2c: {  	s7 =	sld [smem:$0x3FB1]  }
0x2d: {  	s3 =	simm.s32 $0x108;
	s8 =	sld [smem:$0x3FB2]  }
0x2e: {  	s3 =	simm.s32 @!p0 $0x1082;
	s9 =	sld [smem:$0x3FB3]  }
0x2f: {  	lr =	sadd.s32 s0, s3;
	s0 =	sld [smem:$0x3FAA]  }
0x30: {  	s3 =	sld [smem:$0x3FAD]  }
0x31: {  	[smem:$0x3FB6] =	sst s10  }
0x32: {  	s10 =	sld [smem:$0x3FB4];
	_ =	sdelay $0x3  }
0x33: {  	p0 =	seq.s32 s10, $0x1;
	s10 =	sld [smem:$0x3FB6];
	_ =	sdelay $0x3  }
0x34: {  	[smem:$0x3FB6] =	sst s10  }
0x35: {  	s10 =	sld [smem:$0x3FB5];
	_ =	sdelay $0x3  }
0x36: {  	p1 =	seq.s32 s10, $0x1;
	s10 =	sld [smem:$0x3FB6];
	_ =	sdelay $0x3  }
0x37: {  	[smem:$0x3FB6] =	sst s10  }
0x38: {  	s10 =	sld [smem:$0x3FB7]  }
0x39: {  	_ = 	snop;
	(pc) =	sbr.ind lr, $3  }
0x3a: {  	_ = 	snop  }
0x3b: {  	_ = 	snop  }
0x3c: {  	p2 =	seq.s32 s10, $0x1;
	s10 =	sld [smem:$0x3FB6]  }
0x3d: {  	_ =	shalt  }
0x3e: {  	_ =	shalt  }
0x3f: {  	_ =	shalt  }
0x40: {  	_ =	shalt  }
0x41: {  	_ =	shalt  }
0x42: {  	_ =	shalt  }
0x43: {  	_ =	shalt  }
0x44: {  	_ =	shalt  }
0x45: {  	_ =	shalt  }
0x46: {  	_ =	shalt  }
0x47: {  	_ =	shalt  }
0x48: {  	_ =	shalt  }
0x49: {  	_ =	shalt  }
0x4a: {  	_ =	shalt  }
0x4b: {  	_ =	shalt  }
0x4c: {  	_ =	shalt  }
0x4d: {  	_ =	shalt  }
0x4e: {  	_ =	shalt  }
0x4f: {  	_ =	shalt  }
0x50: {  	_ =	shalt  }
0x51: {  	_ =	shalt  }
0x52: {  	_ =	shalt  }
0x53: {  	_ =	shalt  }
0x54: {  	_ =	shalt  }
0x55: {  	_ =	shalt  }
0x56: {  	_ =	shalt  }
0x57: {  	_ =	shalt  }
0x58: {  	_ =	shalt  }
0x59: {  	_ =	shalt  }
0x5a: {  	_ =	shalt  }
0x5b: {  	_ =	shalt  }
0x5c: {  	_ =	shalt  }
0x5d: {  	_ =	shalt  }
0x5e: {  	_ =	shalt  }
0x5f: {  	_ =	shalt  }
0x60: {  	_ =	shalt  }
0x61: {  	_ =	shalt  }
0x62: {  	_ =	shalt  }
0x63: {  	_ =	shalt  }
0x64: {  	_ =	shalt  }
0x65: {  	_ =	shalt  }
0x66: {  	_ =	shalt  }
0x67: {  	_ =	shalt  }
0x68: {  	_ =	shalt  }
0x69: {  	_ =	shalt  }
0x6a: {  	_ =	shalt  }
0x6b: {  	_ =	shalt  }
0x6c: {  	_ =	shalt  }
0x6d: {  	_ =	shalt  }
0x6e: {  	_ =	shalt  }
0x6f: {  	_ =	shalt  }
0x70: {  	_ =	shalt  }
0x71: {  	_ =	shalt  }
0x72: {  	_ =	shalt  }
0x73: {  	_ =	shalt  }
0x74: {  	_ =	shalt  }
0x75: {  	_ =	shalt  }
0x76: {  	_ =	shalt  }
0x77: {  	_ =	shalt  }
0x78: {  	_ =	shalt  }
0x79: {  	_ =	shalt  }
0x7a: {  	_ =	shalt  }
0x7b: {  	_ =	shalt  }
0x7c: {  	_ =	shalt  }
0x7d: {  	_ =	shalt  }
0x7e: {  	_ =	shalt  }
0x7f: {  	_ =	shalt  }
0x80: {  	_ =	shalt  }
0x81: {  	_ =	shalt  }
0x82: {  	_ =	shalt  }
0x83: {  	_ =	shalt  }
0x84: {  	_ =	shalt  }
0x85: {  	_ =	shalt  }
0x86: {  	_ =	shalt  }
0x87: {  	_ =	shalt  }
.Lfunc_end0:
.L_simem_size_0:
called_computation.2_lowered:
.L_overlay_start_0:
0x88: {  	s2 =	sld [smem:$0x3FD9]  }
0x89: {  	s3 =	sld [smem:$0x3FFE];
	_ =	sdelay $0x1  }
0x8a: {  	s1 =	srdreg.scid  }
0x8b: {  	s0 =	sand.u32 $0x1, s1  }
0x8c: {  	s16 =	sshll.u32 s0, $0xA;
	s2 =	sadd.s32 s3, s2  }
0x8d: {  	s2 =	sadd.s32 s2, s16  }
0x8e: {  	[smem:$0x3FC2] =	sst s2  }
0x8f: {  	_ = 	snop  }
0x90: {  	(tm) =	ssettm $0x1  }
0x91: {  	s17 =	sld [smem:$0x3FFB];
	_ =	sdelay $0x3  }
0x92: {  	_ =	strace s17  }
0x93: {  	s2 =	sld [smem:$0x3FFC];
	_ =	sdelay $0x3  }
0x94: {  	_ =	strace s2  }
0x95: {  	s2 =	sld [smem:$0x3FFD];
	_ =	sdelay $0x3  }
0x96: {  	_ =	strace s2  }
0x97: {  	_ =	strace $0x8FFFFFFF  }
0x98: {  	s18 =	sld [smem:$0x3FDB];
	_ =	sdelay $0x1  }
0x99: {  	s19 =	simm.s32 $_scs_section_size  }
0x9a: {  	s4 =	simm.s32 $_size__tile_overlayer_lowered;
	s5 =	simm.s32 $_tile_overlayer_lowered  }
0x9b: {  	s22 =	simm.s32 $0x1BFF;
	s21 =	sshll.u32 s5, $0x1;
	s2 =	sadd.s32 s19, s18  }
0x9c: {  	s6 =	simm.s32 $0x0;
	s20 =	sshll.u32 s4, $0x1;
	s4 =	sadd.s32 s21, s2  }
0x9d: {  	[timem:s6], [sflag:s22] =	dma.local [hbm:s4], s20  }
0x9e: {  	_ =	swait.ge [sflag:s22], s20  }
0x9f: {  	s3 =	ssub.s32 $0x0, s20;
	[sflag:s22] =	ssyncset.done $0x0  }
0xa0: {  	[sflag:s22] =	ssyncadd.s32 s3;
	_ =	sdelay $0x1  }
0xa1: {  	s23 =	simm.s32 $0x1B8B  }
0xa2: {  	_ =	swait.ge [sflag:s23], $0x1  }
0xa3: {  	[sflag:s23] =	ssyncset.done $0x0  }
0xa4: {  	s25 =	simm.s32 $0x1B8E;
	s24 =	sld [smem:$0x3FFE];
	[sflag:s23] =	ssyncadd.s32 $0xFFFFFFFF  }
0xa5: {  	s26 =	simm.s32 $execute0_lowered;
	[smem:$0x3FD2] =	sst s25  }
0xa6: {  	s4 =	sshll.u32 s26, $0x1;
	_ =	strace $0x8000004C;
	[dreg:$0x1] =	wrdreg $0xFFFFFFFF  }
0xa7: {  	s28 =	simm.s32 $_size_execute0_lowered;
	s2 =	sadd.s32 s2, s4;
	[dreg:$0x0] =	wrdreg $0x0  }
0xa8: {  	s4 =	sshll.u32 s28, $0x1;
	[dreg:$0x2] =	wrdreg s2  }
0xa9: {  	[dreg:$0x3] =	wrdreg s4  }
0xaa: {  	[dreg:$0x4] =	wrdreg $0xC0  }
0xab: {  	_ =	task [dreg:s6], $0x5FFFF  }
0xac: {  	[dreg:$0x1] =	wrdreg $0xFFFFFFFF  }
0xad: {  	[dreg:$0x0] =	wrdreg $0x60  }
0xae: {  	[dreg:$0x2] =	wrdreg s24  }
0xaf: {  	[dreg:$0x3] =	wrdreg $0xA8000  }
0xb0: {  	[dreg:$0x4] =	wrdreg $0x9  }
0xb1: {  	_ =	task.clear_ibuf [dreg:s6], $0x5FFFF;
	_ =	strace $0x9000004C  }
0xb2: {  	s29 =	simm.s32 $0x9;
	_ =	strace $0x8000004E  }
0xb3: {  	_ =	swait.ge [sflag:s29], $0x1  }
0xb4: {  	[sflag:s29] =	ssyncadd.s32 $0xFFFFFFFF  }
0xb5: {  	_ =	strace $0x9000004E  }
0xb6: {  	_ =	sfence  }
0xb7: {  	s30 =	sld [smem:$0x0];
	_ =	sdelay $0x2  }
0xb8: {  	s31 =	sshll.u32 s1, $0xD;
	s1 =	sshrl.u32 s1, $0x2  }
0xb9: {  	s3 =	sand.u32 $0x4000, s31;
	s1 =	sadd.s32 s1, s30  }
0xba: {  	s0 =	sor.u32 s3, s0;
	s1 =	sshll.u32 s1, $0x11  }
0xbb: {  	s0 =	sor.u32 s1, s0  }
0xbc: {  	s0 =	sadd.s32 $0x8F2B, s0  }
0xbd: {  	[sflag:s0] =	ssyncadd.remote.s32 $0x1  }
0xbe: {  	_ =	sfence.sel $0xFFFF  }
0xbf: {  	[dreg:$0x0] =	wrdreg $0xFFFFFFFF;
	(pc) =	sbr.abs _section_cstart, $3  }
0xc0: {  	[dreg:$0x1] =	wrdreg $0xFFFFFFFF  }
0xc1: {  	_ =	task.clear_ibuf [dreg:s6], $0x2FFFF;
	_ =	strace $0x9FFFFFFF  }
0xc2: {  	(tm) =	ssettm $0x7FFFFFFF  }
0xc3: {  	_ =	shalt  }
tec
execute0_lowered:
.L_overlay_start_1:
0x0: {  	(tag) =	ssettag $0x1  }
0x1: {  	s5 =	rddreg [dreg:$0x0]  }
0x2: {  	s0 =	srdreg.scid;
	s2 =	rddreg [dreg:$0x1];
	s3 =	simm.s32 $0x0  }
0x3: {  	s14 =	simm.s32 $0x80;
	s15 =	simm.s32 $0x2800;
	s16 =	simm.s32 $0x6800  }
0x4: {  	s17 =	simm.s32 $0x1;
	s18 =	simm.s32 $0x2;
	s19 =	simm.s32 $0x1380  }
0x5: {  	s20 =	simm.s32 $0x2700;
	s21 =	simm.s32 $0x2780;
	s7 =	sand.u32 $0x1, s0  }
0x6: {  	s22 =	simm.s32 $0x0;
	s0 =	stileid.u32;
	s8 =	smul.u32 $0x140000, s7  }
0x7: {  	[smem:$0x7FF] =	sst s3;
	s4 =	sadd.s32 $0x33800, s5;
	s9 =	smul.u32 $0x14000, s0  }
0x8: {  	s12 =	sadd.s32 $0xB800, s5;
	s1 =	sshll.u32 s7, $0x4;
	s11 =	smul.u32 $0x50000, s0  }
0x9: {  	s28 =	ssub.s32 $0x2, s7;
	p0 =	seq.s32 s7, $0x1;
	s30 =	smul.u32 $0x2800, s0  }
0xa: {  	s31 =	sshll.u32 s0, $0x6;
	s1 =	sor.u32 s0, s1;
	s10 =	sshrl.u32 s28, $0x1  }
0xb: {  	s6 =	smul.u32 $0x280, s1;
	s1 =	rddreg [dreg:$0x2];
	_ =	strace $0x8000004D  }
0xc: {  	s8 =	sadd.s32 s9, s8;
	s9 =	ssub.s32 s28, s10;
	s29 =	sshrl.u32 s11, $0x2  }
0xd: {  	s11 =	smov.u32 s4;
	s10 =	simm.s32 $0x3;
	s8 =	sshrl.u32 s8, $0x3  }
0xe: {  	s13 =	sadd.s32 s29, s2;
	s11 =	smov.u32 @p0 s12;
	s12 =	sor.u32 $0x1C03, s31  }
0xf: {  	s6 =	sadd.s32 s6, s5;
	s8 =	sadd.s32 s8, s5;
	s13 =	sshrl.u32 s13, $0x3  }
0x10: {  	s5 =	sadd.s32 $0x1800, s6;
	s6 =	sadd.s32 $0x6800, s6;
	s7 =	sadd.s32 $0x5B800, s8  }
0x11: {  	s8 =	smax.u32 s9, $0x1;
	s9 =	sadd.s32 s11, s30;
	s11 =	simm.s32 $0x1400  }
.LBB2_1:
0x12: {  	[tilespmem:s3], [sflag:$0x3] =	stream.linear.gather [hbm4b:s5+s3], $0x1400, $0x38;
	[tilespmem:$0x1E800] =	vst v63  }
0x13: {  	_ =	swait.ge [sflag:s10], $0x1400  }
0x14: {  	[sflag:s10] =	ssyncset.done $0x0  }
0x15: {  	[sflag:s10] =	ssyncadd.s32 $0xFFFFEC00  }
0x16: {  	[tilespmem:s11], [sflag:$0x3] =	stream.linear.gather [hbm4b:s6+s3], $0x1400, $0x38;
	[tilespmem:$0x1E800] =	vst v63  }
0x17: {  	_ =	swait.ge [sflag:s10], $0x1400  }
0x18: {  	[sflag:s10] =	ssyncset.done $0x0  }
0x19: {  	[sflag:s10] =	ssyncadd.s32 $0xFFFFEC00  }
0x1a: {  	[spmem:s13], [sflag:s12] =	dma.local [hbm:s9], $0x2800  }
0x1b: {  	_ =	swait.ge [sflag:s10], $0x2800  }
0x1c: {  	[sflag:s10] =	ssyncset.done $0x0  }
0x1d: {  	[sflag:s10] =	ssyncadd.s32 $0xFFFFD800  }
0x1e: {  	[bflag:$0x0] =	sbarrier.arrive $0xFFFF  }
0x1f: {  	[tilespmem:s15], [sflag:$0x1] =	stream.indirect.gather [hbm4b:s4+s14], $0x80, s3, s14, $0xb8;
	[tilespmem:$0x1E800] =	vst v63  }
0x20: {  	s23 =	simm.s32 $0x80  }
0x21: {  	[tilespmem:s16], [sflag:$0x2] =	stream.indirect.gather [hbm4b:s4+s14], $0x80, s23, s14, $0xb8;
	[tilespmem:$0x1E800] =	vst v63  }
0x22: {  	_ =	swait.ge [sflag:s17], $0x4000  }
0x23: {  	[sflag:s17] =	ssyncset.done $0x0  }
0x24: {  	s29 =	simm.s32 $0x1400;
	[sflag:s17] =	ssyncadd.s32 $0xFFFFC000  }
0x25: {  	[spmem:s2] =	stream.indirect.scatter.add.f32 [tilespmem:s15], [sflag:$0x3], $0x80, s29, s14, $0xb8;
	[tilespmem:$0x1E800] =	vst v63  }
0x26: {  	_ =	swait.ge [sflag:s10], $0x4000  }
0x27: {  	[sflag:s10] =	ssyncset.done $0x0  }
0x28: {  	s30 =	simm.s32 $0x100;
	[sflag:s10] =	ssyncadd.s32 $0xFFFFC000  }
0x29: {  	[tilespmem:s15], [sflag:$0x1] =	stream.indirect.gather [hbm4b:s4+s14], $0x80, s30, s14, $0xb8;
	[tilespmem:$0x1E800] =	vst v63  }
0x2a: {  	_ =	swait.ge [sflag:s18], $0x4000  }
0x2b: {  	[sflag:s18] =	ssyncset.done $0x0  }
0x2c: {  	s31 =	simm.s32 $0x1480;
	[sflag:s18] =	ssyncadd.s32 $0xFFFFC000  }
0x2d: {  	[spmem:s2] =	stream.indirect.scatter.add.f32 [tilespmem:s16], [sflag:$0x3], $0x80, s31, s14, $0xb8;
	[tilespmem:$0x1E800] =	vst v63  }
0x2e: {  	_ =	swait.ge [sflag:s10], $0x4000  }
0x2f: {  	s24 =	simm.s32 $0x800;
	s23 =	simm.s32 $0x100;
	[sflag:s10] =	ssyncset.done $0x0  }
.LBB2_2:
0x30: {  	s25 =	sadd.s32 $0x80, s23  }
0x31: {  	[sflag:s10] =	ssyncadd.s32 $0xFFFFC000;
	s26 =	smov.u32 s24;
	s28 =	sadd.s32 $0x400, s24  }
0x32: {  	[tilespmem:s16], [sflag:$0x2] =	stream.indirect.gather [hbm4b:s4+s14], $0x80, s25, s14, $0xb8;
	[tilespmem:$0x1E800] =	vst v63  }
0x33: {  	p0 =	sne.s32 s24, $0x4800;
	_ =	swait.ge [sflag:s17], $0x4000  }
0x34: {  	[sflag:s17] =	ssyncset.done $0x0  }
0x35: {  	s24 =	sadd.s32 $0x1400, s23;
	[sflag:s17] =	ssyncadd.s32 $0xFFFFC000  }
0x36: {  	[spmem:s2] =	stream.indirect.scatter.add.f32 [tilespmem:s15], [sflag:$0x3], $0x80, s24, s14, $0xb8;
	[tilespmem:$0x1E800] =	vst v63  }
0x37: {  	_ =	swait.ge [sflag:s10], $0x4000  }
0x38: {  	[sflag:s10] =	ssyncset.done $0x0  }
0x39: {  	s24 =	sadd.s32 $0x100, s23;
	[sflag:s10] =	ssyncadd.s32 $0xFFFFC000  }
0x3a: {  	[tilespmem:s15], [sflag:$0x1] =	stream.indirect.gather [hbm4b:s4+s14], $0x80, s24, s14, $0xb8;
	[tilespmem:$0x1E800] =	vst v63  }
0x3b: {  	_ =	swait.ge [sflag:s18], $0x4000  }
.Ltmp0:
0x3c: {  	[sflag:s18] =	ssyncset.done $0x0;
	(pc) =	sbr.rel @p0 .LBB2_2-.Ltmp0, $4  }
0x3d: {  	s23 =	sadd.s32 $0x1480, s23;
	[sflag:s18] =	ssyncadd.s32 $0xFFFFC000  }
0x3e: {  	[spmem:s2] =	stream.indirect.scatter.add.f32 [tilespmem:s16], [sflag:$0x3], $0x80, s23, s14, $0xb8;
	[tilespmem:$0x1E800] =	vst v63  }
0x3f: {  	_ =	swait.ge [sflag:s10], $0x4000  }
0x40: {  	s24 =	smov.u32 s28;
	s23 =	sshra.s32 s26, $0x2;
	[sflag:s10] =	ssyncset.done $0x0  }
0x41: {  	s24 =	sadd.s32 $0x80, s23;
	[sflag:s10] =	ssyncadd.s32 $0xFFFFC000  }
0x42: {  	[tilespmem:s16], [sflag:$0x2] =	stream.indirect.gather [hbm4b:s4+s14], $0x80, s24, s14, $0xb8;
	[tilespmem:$0x1E800] =	vst v63  }
0x43: {  	_ =	swait.ge [sflag:s17], $0x4000  }
0x44: {  	[sflag:s17] =	ssyncset.done $0x0  }
0x45: {  	s29 =	sadd.s32 $0x1400, s23;
	[sflag:s17] =	ssyncadd.s32 $0xFFFFC000  }
0x46: {  	[spmem:s2] =	stream.indirect.scatter.add.f32 [tilespmem:s15], [sflag:$0x3], $0x80, s29, s14, $0xb8;
	[tilespmem:$0x1E800] =	vst v63  }
0x47: {  	_ =	swait.ge [sflag:s10], $0x4000  }
0x48: {  	[sflag:s10] =	ssyncset.done $0x0  }
0x49: {  	s30 =	sadd.s32 $0x100, s23;
	[sflag:s10] =	ssyncadd.s32 $0xFFFFC000  }
0x4a: {  	[tilespmem:s15], [sflag:$0x1] =	stream.indirect.gather [hbm4b:s4+s14], $0x80, s30, s14, $0xb8;
	[tilespmem:$0x1E800] =	vst v63  }
0x4b: {  	_ =	swait.ge [sflag:s18], $0x4000  }
0x4c: {  	[sflag:s18] =	ssyncset.done $0x0  }
0x4d: {  	s31 =	sadd.s32 $0x1480, s23;
	[sflag:s18] =	ssyncadd.s32 $0xFFFFC000  }
0x4e: {  	[spmem:s2] =	stream.indirect.scatter.add.f32 [tilespmem:s16], [sflag:$0x3], $0x80, s31, s14, $0xb8;
	[tilespmem:$0x1E800] =	vst v63  }
0x4f: {  	_ =	swait.ge [sflag:s10], $0x4000  }
0x50: {  	[sflag:s10] =	ssyncset.done $0x0  }
0x51: {  	[sflag:s10] =	ssyncadd.s32 $0xFFFFC000  }
0x52: {  	[tilespmem:s16], [sflag:$0x2] =	stream.indirect.gather [hbm4b:s4+s14], $0x80, s19, s14, $0xb8;
	[tilespmem:$0x1E800] =	vst v63  }
0x53: {  	_ =	swait.ge [sflag:s17], $0x4000  }
0x54: {  	[sflag:s17] =	ssyncset.done $0x0  }
0x55: {  	[sflag:s17] =	ssyncadd.s32 $0xFFFFC000  }
0x56: {  	[spmem:s2] =	stream.indirect.scatter.add.f32 [tilespmem:s15], [sflag:$0x3], $0x80, s20, s14, $0xb8;
	[tilespmem:$0x1E800] =	vst v63  }
0x57: {  	_ =	swait.ge [sflag:s10], $0x4000  }
0x58: {  	[sflag:s10] =	ssyncset.done $0x0  }
0x59: {  	[sflag:s10] =	ssyncadd.s32 $0xFFFFC000  }
0x5a: {  	_ =	swait.ge [sflag:s18], $0x4000  }
0x5b: {  	[sflag:s18] =	ssyncset.done $0x0  }
0x5c: {  	[sflag:s18] =	ssyncadd.s32 $0xFFFFC000  }
0x5d: {  	[spmem:s2] =	stream.indirect.scatter.add.f32 [tilespmem:s16], [sflag:$0x3], $0x80, s21, s14, $0xb8;
	[tilespmem:$0x1E800] =	vst v63  }
0x5e: {  	_ =	swait.ge [sflag:s10], $0x4000  }
0x5f: {  	s22 =	sadd.s32 $0x1, s22;
	[sflag:s10] =	ssyncset.done $0x0  }
0x60: {  	p0 =	sne.s32 s22, s8;
	[sflag:s10] =	ssyncadd.s32 $0xFFFFC000  }
.Ltmp1:
0x61: {  	[bflag:$0x0] =	sbarrier.arrive $0xFFFF;
	(pc) =	sbr.rel @p0 .LBB2_1-.Ltmp1, $4  }
0x62: {  	[hbm:s7], [sflag:s12] =	dma.local [spmem:s13], $0x2800  }
0x63: {  	_ =	swait.ge [sflag:s10], $0x2800  }
0x64: {  	[sflag:s10] =	ssyncset.done $0x0  }
0x65: {  	[sflag:s10] =	ssyncadd.s32 $0xFFFFD800  }
0x66: {  	_ =	sfence.sel $0x180000  }
0x67: {  	[bflag:$0x0] =	sbarrier.arrive $0xFFFF  }
0x68: {  	p0 =	sne.s32 s0, $0x0;
	_ =	strace $0x9000004D  }
0x69: {  	s0 =	sadd.s32 @!p0 $0x100000, s1;
	[bflag:$0x2] =	sbarrier.arrive $0xFFFF  }
0x6a: {  	[sflag:s0] =	ssyncadd.tile.s32 @!p0 $0x1;
	_ =	shalt  }
.Lfunc_end2:
_tile_overlayer_lowered:
.L_overlay_start_2:
0x6b: {  	(tag) =	ssettag $0x2  }
0x6c: {  	s0 =	rddreg [dreg:$0x0];
	s2 =	stileid.u32  }
0x6d: {  	s1 =	rddreg [dreg:$0x1];
	p0 =	sne.s32 s2, $0x0  }
0x6e: {  	s3 =	rddreg [dreg:$0x2];
	[bflag:$0x3] =	sbarrier.arrive $0xFFFF;
	s2 =	simm.s32 @!p0 $0x1C03  }
0x6f: {  	[timem:s3], [sflag:s2] =	dma.local @!p0 [hbm:s0], s1  }
0x70: {  	s0 =	simm.s32 @!p0 $0x3  }
0x71: {  	_ =	swait.ge @!p0 [sflag:s0], s1  }
0x72: {  	s1 =	ssub.s32 @!p0 $0x0, s1;
	[sflag:s0] =	ssyncset.done @!p0 $0x0  }
0x73: {  	[sflag:s0] =	ssyncadd.s32 @!p0 s1  }
0x74: {  	[bflag:$0x3] =	sbarrier.arrive $0xFFFF  }
0x75: {  	_ =	shalt  }

// kernel: kernel.8.cloned.1.call-start
scs
__scs_entry_jumppad:
0x0: {  	(pc) =	sbr.rel $0x88, $3  }
0x1: {  	(tag) =	ssettag $0x0;
	lr =	simm.s32 $0x1  }
0x2: {  	[smem:$0x3F9B] =	sst lr;
	_ =	strace $0xD0000000  }
0x3: {  	_ = 	snop  }
0x4: {  	_ = 	snop  }
0x5: {  	_ = 	snop  }
0x6: {  	_ = 	snop  }
0x7: {  	_ = 	snop  }
__scs_overlays_trampoline_lowered:
0x8: {  	[smem:$0x3FAA] =	sst s0  }
0x9: {  	[smem:$0x3FAB] =	sst s1  }
0xa: {  	[smem:$0x3FAC] =	sst s2  }
0xb: {  	[smem:$0x3FAD] =	sst s3  }
0xc: {  	[smem:$0x3FAE] =	sst s4  }
0xd: {  	[smem:$0x3FAF] =	sst s5  }
0xe: {  	[smem:$0x3FB0] =	sst s6  }
0xf: {  	[smem:$0x3FB1] =	sst s7  }
0x10: {  	[smem:$0x3FB2] =	sst s8  }
0x11: {  	[smem:$0x3FB3] =	sst s9;
	s0 =	simm.s32 @!p0 $0x0  }
0x12: {  	s1 =	sld [smem:$0x3F99];
	s0 =	simm.s32 @p0 $0x1  }
0x13: {  	[smem:$0x3FB4] =	sst s0;
	s0 =	simm.s32 @!p1 $0x0  }
0x14: {  	s2 =	sld [smem:$0x3F98];
	s0 =	simm.s32 @p1 $0x1  }
0x15: {  	[smem:$0x3FB5] =	sst s0;
	s0 =	simm.s32 @!p2 $0x0  }
0x16: {  	s3 =	sld [smem:$0x3FDB];
	s0 =	simm.s32 @p2 $0x1  }
0x17: {  	s4 =	simm.s32 $0x1BF5;
	[smem:$0x3FB7] =	sst s0  }
0x18: {  	s0 =	sld [smem:$0x3F9A];
	_ =	swait.ge [sflag:s4], $0x0  }
0x19: {  	s7 =	sld [smem:$0x3F9B]  }
0x1a: {  	s8 =	sadd.s32 $0xFFFFE003, lr  }
0x1b: {  	s9 =	sadd.s32 $0xFFFFFEF7, lr;
	s5 =	simm.s32 $0xFFFFFFFF;
	p2 =	slt.u32 s8, $0xFFFFF086  }
0x1c: {  	p1 =	slt.u32 s9, $0xF7A;
	s5 =	simm.s32 @!p2 $0x0  }
0x1d: {  	s5 =	simm.s32 @p1 $0x1;
	p0 =	seq.s32 s7, s2  }
0x1e: {  	s7 =	smul.u32 @!p0 $0xF7A, s2;
	p2 =	seq.s32 @!p0 s5, $0x0  }
0x1f: {  	s9 =	smul.u32 $0xF7A, s1;
	s8 =	simm.s32 @!p0 $0x1BF5;
	p2 =	por !p2, p0  }
0x20: {  	[sflag:s8] =	ssyncset.s32 @!p0 $0xFFFFF086;
	s6 =	sadd.s32 @!p0 s3, s7;
	s7 =	simm.s32 @!p0 $0x108  }
0x21: {  	s3 =	sadd.s32 s3, s9;
	s6 =	sadd.s32 @!p0 $0x88, s6;
	s7 =	simm.s32 @p2 $0x1082  }
0x22: {  	[simem:s7], [sflag:s8] =	dma.local @!p0 [hbm:s6], $0xF7A  }
0x23: {  	s9 =	sor.u32 $0xD0000000, s2;
	s6 =	simm.s32 $0x108;
	_ =	swait.ge @!p0 [sflag:s8], $0x0  }
0x24: {  	s3 =	sadd.s32 $0x88, s3;
	s6 =	simm.s32 @!p1 $0x1082;
	[sflag:s4] =	ssyncset.s32 $0xFFFFF086  }
0x25: {  	[simem:s6], [sflag:s4] =	dma.local [hbm:s3], $0xF7A  }
0x26: {  	[smem:$0x3F9B] =	sst s1;
	(tag) =	ssettag s2;
	_ =	strace s9  }
0x27: {  	s1 =	sld [smem:$0x3FAB]  }
0x28: {  	s2 =	sld [smem:$0x3FAC]  }
0x29: {  	s4 =	sld [smem:$0x3FAE]  }
0x2a: {  	p0 =	seq.s32 s5, $0x0;
	s5 =	sld [smem:$0x3FAF]  }
0x2b: {  	s6 =	sld [smem:$0x3FB0]  }
0x2c: {  	s7 =	sld [smem:$0x3FB1]  }
0x2d: {  	s3 =	simm.s32 $0x108;
	s8 =	sld [smem:$0x3FB2]  }
0x2e: {  	s3 =	simm.s32 @!p0 $0x1082;
	s9 =	sld [smem:$0x3FB3]  }
0x2f: {  	lr =	sadd.s32 s0, s3;
	s0 =	sld [smem:$0x3FAA]  }
0x30: {  	s3 =	sld [smem:$0x3FAD]  }
0x31: {  	[smem:$0x3FB6] =	sst s10  }
0x32: {  	s10 =	sld [smem:$0x3FB4];
	_ =	sdelay $0x3  }
0x33: {  	p0 =	seq.s32 s10, $0x1;
	s10 =	sld [smem:$0x3FB6];
	_ =	sdelay $0x3  }
0x34: {  	[smem:$0x3FB6] =	sst s10  }
0x35: {  	s10 =	sld [smem:$0x3FB5];
	_ =	sdelay $0x3  }
0x36: {  	p1 =	seq.s32 s10, $0x1;
	s10 =	sld [smem:$0x3FB6];
	_ =	sdelay $0x3  }
0x37: {  	[smem:$0x3FB6] =	sst s10  }
0x38: {  	s10 =	sld [smem:$0x3FB7]  }
0x39: {  	_ = 	snop;
	(pc) =	sbr.ind lr, $3  }
0x3a: {  	_ = 	snop  }
0x3b: {  	_ = 	snop  }
0x3c: {  	p2 =	seq.s32 s10, $0x1;
	s10 =	sld [smem:$0x3FB6]  }
0x3d: {  	_ =	shalt  }
0x3e: {  	_ =	shalt  }
0x3f: {  	_ =	shalt  }
0x40: {  	_ =	shalt  }
0x41: {  	_ =	shalt  }
0x42: {  	_ =	shalt  }
0x43: {  	_ =	shalt  }
0x44: {  	_ =	shalt  }
0x45: {  	_ =	shalt  }
0x46: {  	_ =	shalt  }
0x47: {  	_ =	shalt  }
0x48: {  	_ =	shalt  }
0x49: {  	_ =	shalt  }
0x4a: {  	_ =	shalt  }
0x4b: {  	_ =	shalt  }
0x4c: {  	_ =	shalt  }
0x4d: {  	_ =	shalt  }
0x4e: {  	_ =	shalt  }
0x4f: {  	_ =	shalt  }
0x50: {  	_ =	shalt  }
0x51: {  	_ =	shalt  }
0x52: {  	_ =	shalt  }
0x53: {  	_ =	shalt  }
0x54: {  	_ =	shalt  }
0x55: {  	_ =	shalt  }
0x56: {  	_ =	shalt  }
0x57: {  	_ =	shalt  }
0x58: {  	_ =	shalt  }
0x59: {  	_ =	shalt  }
0x5a: {  	_ =	shalt  }
0x5b: {  	_ =	shalt  }
0x5c: {  	_ =	shalt  }
0x5d: {  	_ =	shalt  }
0x5e: {  	_ =	shalt  }
0x5f: {  	_ =	shalt  }
0x60: {  	_ =	shalt  }
0x61: {  	_ =	shalt  }
0x62: {  	_ =	shalt  }
0x63: {  	_ =	shalt  }
0x64: {  	_ =	shalt  }
0x65: {  	_ =	shalt  }
0x66: {  	_ =	shalt  }
0x67: {  	_ =	shalt  }
0x68: {  	_ =	shalt  }
0x69: {  	_ =	shalt  }
0x6a: {  	_ =	shalt  }
0x6b: {  	_ =	shalt  }
0x6c: {  	_ =	shalt  }
0x6d: {  	_ =	shalt  }
0x6e: {  	_ =	shalt  }
0x6f: {  	_ =	shalt  }
0x70: {  	_ =	shalt  }
0x71: {  	_ =	shalt  }
0x72: {  	_ =	shalt  }
0x73: {  	_ =	shalt  }
0x74: {  	_ =	shalt  }
0x75: {  	_ =	shalt  }
0x76: {  	_ =	shalt  }
0x77: {  	_ =	shalt  }
0x78: {  	_ =	shalt  }
0x79: {  	_ =	shalt  }
0x7a: {  	_ =	shalt  }
0x7b: {  	_ =	shalt  }
0x7c: {  	_ =	shalt  }
0x7d: {  	_ =	shalt  }
0x7e: {  	_ =	shalt  }
0x7f: {  	_ =	shalt  }
0x80: {  	_ =	shalt  }
0x81: {  	_ =	shalt  }
0x82: {  	_ =	shalt  }
0x83: {  	_ =	shalt  }
0x84: {  	_ =	shalt  }
0x85: {  	_ =	shalt  }
0x86: {  	_ =	shalt  }
0x87: {  	_ =	shalt  }
.Lfunc_end0:
.L_simem_size_0:
called_computation_lowered:
.L_overlay_start_0:
0x88: {  	s2 =	sld [smem:$0x3FD9]  }
0x89: {  	s3 =	sld [smem:$0x3FFE];
	_ =	sdelay $0x1  }
0x8a: {  	s1 =	srdreg.scid  }
0x8b: {  	s0 =	sand.u32 $0x1, s1  }
0x8c: {  	s16 =	sshll.u32 s0, $0xA;
	s2 =	sadd.s32 s3, s2  }
0x8d: {  	s2 =	sadd.s32 s2, s16  }
0x8e: {  	[smem:$0x3FC2] =	sst s2  }
0x8f: {  	_ = 	snop  }
0x90: {  	(tm) =	ssettm $0x1  }
0x91: {  	s17 =	sld [smem:$0x3FFB];
	_ =	sdelay $0x3  }
0x92: {  	_ =	strace s17  }
0x93: {  	s2 =	sld [smem:$0x3FFC];
	_ =	sdelay $0x3  }
0x94: {  	_ =	strace s2  }
0x95: {  	s2 =	sld [smem:$0x3FFD];
	_ =	sdelay $0x3  }
0x96: {  	_ =	strace s2  }
0x97: {  	_ =	strace $0x8FFFFFFF  }
0x98: {  	s18 =	sld [smem:$0x3FDB];
	_ =	sdelay $0x1  }
0x99: {  	s19 =	simm.s32 $_scs_section_size  }
0x9a: {  	s4 =	simm.s32 $_size__tile_overlayer_lowered;
	s5 =	simm.s32 $_tile_overlayer_lowered  }
0x9b: {  	s22 =	simm.s32 $0x1BFF;
	s21 =	sshll.u32 s5, $0x1;
	s2 =	sadd.s32 s19, s18  }
0x9c: {  	s6 =	simm.s32 $0x0;
	s20 =	sshll.u32 s4, $0x1;
	s4 =	sadd.s32 s21, s2  }
0x9d: {  	[timem:s6], [sflag:s22] =	dma.local [hbm:s4], s20  }
0x9e: {  	_ =	swait.ge [sflag:s22], s20  }
0x9f: {  	s3 =	ssub.s32 $0x0, s20;
	[sflag:s22] =	ssyncset.done $0x0  }
0xa0: {  	[sflag:s22] =	ssyncadd.s32 s3;
	_ =	sdelay $0x1  }
0xa1: {  	s23 =	simm.s32 $0x1B8B  }
0xa2: {  	_ =	swait.ge [sflag:s23], $0x1  }
0xa3: {  	[sflag:s23] =	ssyncset.done $0x0  }
0xa4: {  	s25 =	simm.s32 $0x1B8E;
	s24 =	sld [smem:$0x3FFE];
	[sflag:s23] =	ssyncadd.s32 $0xFFFFFFFF  }
0xa5: {  	s26 =	simm.s32 $execute0_lowered;
	[smem:$0x3FD2] =	sst s25  }
0xa6: {  	s4 =	sshll.u32 s26, $0x1;
	_ =	strace $0x80000046;
	[dreg:$0x1] =	wrdreg $0xFFFFFFFF  }
0xa7: {  	s28 =	simm.s32 $_size_execute0_lowered;
	s2 =	sadd.s32 s2, s4;
	[dreg:$0x0] =	wrdreg $0x0  }
0xa8: {  	s4 =	sshll.u32 s28, $0x1;
	[dreg:$0x2] =	wrdreg s2  }
0xa9: {  	[dreg:$0x3] =	wrdreg s4  }
0xaa: {  	[dreg:$0x4] =	wrdreg $0xC0  }
0xab: {  	_ =	task [dreg:s6], $0x5FFFF  }
0xac: {  	[dreg:$0x1] =	wrdreg $0xFFFFFFFF  }
0xad: {  	[dreg:$0x0] =	wrdreg $0x60  }
0xae: {  	[dreg:$0x2] =	wrdreg s24  }
0xaf: {  	[dreg:$0x3] =	wrdreg $0x54000  }
0xb0: {  	[dreg:$0x4] =	wrdreg $0x9  }
0xb1: {  	_ =	task.clear_ibuf [dreg:s6], $0x5FFFF;
	_ =	strace $0x90000046  }
0xb2: {  	s29 =	simm.s32 $0x9;
	_ =	strace $0x80000048  }
0xb3: {  	_ =	swait.ge [sflag:s29], $0x1  }
0xb4: {  	[sflag:s29] =	ssyncadd.s32 $0xFFFFFFFF  }
0xb5: {  	_ =	strace $0x90000048  }
0xb6: {  	_ =	sfence  }
0xb7: {  	s30 =	sld [smem:$0x0];
	_ =	sdelay $0x2  }
0xb8: {  	s31 =	sshll.u32 s1, $0xD;
	s1 =	sshrl.u32 s1, $0x2  }
0xb9: {  	s3 =	sand.u32 $0x4000, s31;
	s1 =	sadd.s32 s1, s30  }
0xba: {  	s0 =	sor.u32 s3, s0;
	s1 =	sshll.u32 s1, $0x11  }
0xbb: {  	s0 =	sor.u32 s1, s0  }
0xbc: {  	s0 =	sadd.s32 $0x8F2B, s0  }
0xbd: {  	[sflag:s0] =	ssyncadd.remote.s32 $0x1  }
0xbe: {  	_ =	sfence.sel $0xFFFF  }
0xbf: {  	[dreg:$0x0] =	wrdreg $0xFFFFFFFF;
	(pc) =	sbr.abs _section_cstart, $3  }
0xc0: {  	[dreg:$0x1] =	wrdreg $0xFFFFFFFF  }
0xc1: {  	_ =	task.clear_ibuf [dreg:s6], $0x2FFFF;
	_ =	strace $0x9FFFFFFF  }
0xc2: {  	(tm) =	ssettm $0x7FFFFFFF  }
0xc3: {  	_ =	shalt  }
tec
execute0_lowered:
.L_overlay_start_1:
0x0: {  	(tag) =	ssettag $0x1  }
0x1: {  	s0 =	srdreg.scid;
	s6 =	rddreg [dreg:$0x0]  }
0x2: {  	s2 =	rddreg [dreg:$0x1];
	s5 =	sand.u32 $0x1, s0;
	s0 =	stileid.u32  }
0x3: {  	s3 =	simm.s32 $0x0;
	s13 =	simm.s32 $0x80;
	s7 =	smul.u32 $0x14000, s0  }
0x4: {  	s14 =	simm.s32 $0x0;
	[smem:$0x7FF] =	sst s3;
	s8 =	smul.u32 $0x140000, s5  }
0x5: {  	s1 =	sshll.u32 s5, $0x4;
	s5 =	ssub.s32 $0x2, s5;
	s29 =	smul.u32 $0x50000, s0  }
0x6: {  	s31 =	sshll.u32 s0, $0x6;
	s4 =	sor.u32 s0, s1;
	s1 =	rddreg [dreg:$0x2]  }
0x7: {  	_ =	strace $0x80000047;
	s11 =	sshrl.u32 s5, $0x1;
	s4 =	smul.u32 $0x280, s4  }
0x8: {  	s10 =	sshrl.u32 s7, $0x3;
	s7 =	sadd.s32 s7, s8;
	s11 =	ssub.s32 s5, s11  }
0x9: {  	s30 =	sshrl.u32 s29, $0x2;
	s10 =	sadd.s32 s10, s6;
	s7 =	sshrl.u32 s7, $0x3  }
0xa: {  	s12 =	sadd.s32 s30, s2;
	s8 =	smax.u32 s11, $0x1;
	s9 =	sadd.s32 s4, s6  }
0xb: {  	s4 =	sadd.s32 $0x33800, s6;
	s7 =	sadd.s32 s7, s6;
	s6 =	sadd.s32 $0xB800, s10  }
0xc: {  	s10 =	sor.u32 $0x1C01, s31;
	s11 =	sshrl.u32 s12, $0x3;
	s12 =	simm.s32 $0x1400  }
0xd: {  	s5 =	sadd.s32 $0x6800, s9;
	s7 =	sadd.s32 $0x34000, s7;
	s9 =	simm.s32 $0x1  }
.LBB2_1:
0xe: {  	[tilespmem:s3], [sflag:$0x1] =	stream.linear.gather [hbm4b:s5+s3], $0x1400, $0x38;
	[tilespmem:$0x19400] =	vst v63  }
0xf: {  	_ =	swait.ge [sflag:s9], $0x1400  }
0x10: {  	[sflag:s9] =	ssyncset.done $0x0  }
0x11: {  	[sflag:s9] =	ssyncadd.s32 $0xFFFFEC00  }
0x12: {  	[spmem:s11], [sflag:s10] =	dma.local [hbm:s6], $0x2800  }
0x13: {  	_ =	swait.ge [sflag:s9], $0x2800  }
0x14: {  	[sflag:s9] =	ssyncset.done $0x0  }
0x15: {  	[sflag:s9] =	ssyncadd.s32 $0xFFFFD800  }
0x16: {  	[tilespmem:s12], [sflag:$0x1] =	stream.linear.gather [hbm4b:s4+s3], $0x4000, $0x38;
	[tilespmem:$0x19400] =	vst v63  }
0x17: {  	_ =	swait.ge [sflag:s9], $0x4000  }
0x18: {  	[sflag:s9] =	ssyncset.done $0x0  }
0x19: {  	[sflag:s9] =	ssyncadd.s32 $0xFFFFC000  }
0x1a: {  	s15 =	simm.s32 $0x0;
	[bflag:$0x0] =	sbarrier.arrive $0xFFFF  }
0x1b: {  	[spmem:s2] =	stream.indirect.scatter.add.f32 [tilespmem:s12], [sflag:$0x1], $0x80, s15, s13, $0xb8;
	[tilespmem:$0x19400] =	vst v63  }
0x1c: {  	_ =	swait.ge [sflag:s9], $0x4000  }
0x1d: {  	s15 =	simm.s32 $0x200;
	[sflag:s9] =	ssyncset.done $0x0  }
.LBB2_2:
0x1e: {  	s16 =	sshra.s32 s15, $0x2;
	[sflag:s9] =	ssyncadd.s32 $0xFFFFC000;
	p0 =	sne.s32 s15, $0x4E00  }
0x1f: {  	[spmem:s2] =	stream.indirect.scatter.add.f32 [tilespmem:s12], [sflag:$0x1], $0x80, s16, s13, $0xb8;
	[tilespmem:$0x19400] =	vst v63  }
.Ltmp0:
0x20: {  	_ = 	snop;
	(pc) =	sbr.rel @p0 .LBB2_2-.Ltmp0, $4  }
0x21: {  	_ = 	snop  }
0x22: {  	s15 =	sadd.s32 $0x200, s15  }
0x23: {  	_ =	swait.ge [sflag:s9], $0x4000  }
0x24: {  	[sflag:s9] =	ssyncset.done $0x0  }
0x25: {  	s14 =	sadd.s32 $0x1, s14  }
0x26: {  	[sflag:s9] =	ssyncadd.s32 $0xFFFFC000;
	p0 =	sne.s32 s14, s8  }
.Ltmp1:
0x27: {  	[bflag:$0x0] =	sbarrier.arrive $0xFFFF;
	(pc) =	sbr.rel @p0 .LBB2_1-.Ltmp1, $4  }
0x28: {  	[hbm:s7], [sflag:s10] =	dma.local [spmem:s11], $0x2800  }
0x29: {  	_ =	swait.ge [sflag:s9], $0x2800  }
0x2a: {  	[sflag:s9] =	ssyncset.done $0x0  }
0x2b: {  	[sflag:s9] =	ssyncadd.s32 $0xFFFFD800  }
0x2c: {  	_ =	sfence.sel $0x180000  }
0x2d: {  	[bflag:$0x0] =	sbarrier.arrive $0xFFFF  }
0x2e: {  	p0 =	sne.s32 s0, $0x0;
	_ =	strace $0x90000047  }
0x2f: {  	s0 =	sadd.s32 @!p0 $0x100000, s1;
	[bflag:$0x2] =	sbarrier.arrive $0xFFFF  }
0x30: {  	[sflag:s0] =	ssyncadd.tile.s32 @!p0 $0x1;
	_ =	shalt  }
.Lfunc_end2:
_tile_overlayer_lowered:
.L_overlay_start_2:
0x31: {  	(tag) =	ssettag $0x2  }
0x32: {  	s0 =	rddreg [dreg:$0x0];
	s2 =	stileid.u32  }
0x33: {  	s1 =	rddreg [dreg:$0x1];
	p0 =	sne.s32 s2, $0x0  }
0x34: {  	s3 =	rddreg [dreg:$0x2];
	[bflag:$0x3] =	sbarrier.arrive $0xFFFF;
	s2 =	simm.s32 @!p0 $0x1C01  }
0x35: {  	[timem:s3], [sflag:s2] =	dma.local @!p0 [hbm:s0], s1  }
0x36: {  	s0 =	simm.s32 @!p0 $0x1  }
0x37: {  	_ =	swait.ge @!p0 [sflag:s0], s1  }
0x38: {  	s1 =	ssub.s32 @!p0 $0x0, s1;
	[sflag:s0] =	ssyncset.done @!p0 $0x0  }
0x39: {  	[sflag:s0] =	ssyncadd.s32 @!p0 s1  }
0x3a: {  	[bflag:$0x3] =	sbarrier.arrive $0xFFFF  }
0x3b: {  	_ =	shalt  }

</sc_bundles>
